<compile_context>
chip_gen: v7x
topology: tpu7x:2x2x1
jax: 0.10.2.dev20260603
libtpu: 0.0.44.dev20260713+nightly
codegen_flags: <defaults>
</compile_context>

<pallas_src>
import functools

import jax
import jax.numpy as jnp
from jax import lax
from jax.experimental import pallas as pl
from jax.experimental.pallas import tpu as pltpu
from jax.experimental.pallas import tpu_sc as plsc

_LANES = 16


@functools.cache
def _build_sc_gather(B: int, V: int, D: int):
    info = plsc.get_sparse_core_info()
    nc, ns = info.num_cores, info.num_subcores
    nw = nc * ns
    assert B % (8 * nw) == 0, "batch must split 8-aligned across subcores"
    b_per_w = B // nw

    mesh = plsc.VectorSubcoreMesh(core_axis_name="c", subcore_axis_name="s")

    @functools.partial(
        pl.kernel,
        mesh=mesh,
        out_type=jax.ShapeDtypeStruct((B, D), jnp.float32),
        scratch_types=[
            pltpu.VMEM((b_per_w,), jnp.int32),
            pltpu.VMEM((b_per_w, D), jnp.float32),
            pltpu.SemaphoreType.DMA,
            pltpu.SemaphoreType.DMA,
            pltpu.SemaphoreType.DMA,
            pltpu.SemaphoreType.DMA,
            pltpu.SemaphoreType.DMA,
        ],
    )
    def sc_gather(n_id_hbm, tbl_hbm, out_hbm, idx_v, rows_v,
                  sem0, sem1, sem2, sem3, sem_wb):
        wid = lax.axis_index("s") * nc + lax.axis_index("c")
        base = wid * b_per_w
        sems = [sem0, sem1, sem2, sem3]
        n_chunks = len(sems)
        c_rows = b_per_w // n_chunks

        pltpu.sync_copy(n_id_hbm.at[pl.ds(base, b_per_w)], idx_v)

        for k in range(n_chunks):
            def fetch_k(jb, _, k=k):
                j0 = k * c_rows + jb * _LANES
                vec = idx_v[pl.ds(j0, _LANES)]
                for lane in range(_LANES):
                    row = vec[lane]
                    pltpu.async_copy(
                        tbl_hbm.at[row], rows_v.at[j0 + lane], sems[k])
                return 0

            lax.fori_loop(0, c_rows // _LANES, fetch_k, 0)

        for k in range(n_chunks):
            pltpu.make_async_copy(
                tbl_hbm.at[pl.ds(0, c_rows)],
                rows_v.at[pl.ds(k * c_rows, c_rows)], sems[k]).wait()
            pltpu.async_copy(
                rows_v.at[pl.ds(k * c_rows, c_rows)],
                out_hbm.at[pl.ds(base + k * c_rows, c_rows)], sem_wb)

        pltpu.make_async_copy(
            rows_v, out_hbm.at[pl.ds(base, b_per_w)], sem_wb).wait()

    return sc_gather


def kernel(n_id, emb_table):
    B = n_id.shape[0]
    V, D = emb_table.shape
    sc_gather = _build_sc_gather(B, V, D)
    return sc_gather(n_id.astype(jnp.int32), emb_table)

# --- scband reference (transcript-rebuilt; emitter-appended) ---
"""Pipeline reference for scband-node-feature-processor-67628555043422 (READ-ONLY COPY).

The authoritative reference and input builder live on the scoring server;
editing this copy changes nothing except your own understanding.
"""

import jax, jax.numpy as jnp
import numpy as np

NUM_NODES = 1000000
EMB_DIM = 64
BATCH = 16384

def setup_inputs(seed: int = 0) -> dict:
    key = jax.random.key(seed)
    k1, k2 = jax.random.split(key)
    n_id = jax.random.randint(k1, (BATCH,), 0, NUM_NODES)
    # Learnable embedding table created in __init__ for node type with no raw features
    emb_table = jax.random.normal(k2, (NUM_NODES, EMB_DIM), dtype=jnp.float32)
    return {"n_id": n_id, "emb_table": emb_table}

def reference(n_id, emb_table):
    # NodeFeatureProcessor.forward for a featureless node type:
    # x_processed = self.embeddings[node_type](data[node_type].n_id)
    # projection is nn.Identity(), so the output is the raw gather.
    return jnp.take(emb_table, n_id, axis=0)

if __name__ == "__main__":
    import jax
    _d = setup_inputs()
    print(jax.jit(kernel)(*tuple(_d.values())))

</pallas_src>

<mosaic_0001>
#map = affine_map<(d0, d1) -> (0)>
#map1 = affine_map<(d0, d1) -> (0, 0)>
module attributes {stable_mosaic.version = 14 : i64} {
  func.func @sc_gather(%arg0: i32, %arg1: i32, %arg2: memref<16384xi32, #tpu.memory_space<hbm>>, %arg3: memref<1000000x64xf32, #tpu.memory_space<hbm>>, %arg4: memref<16384x64xf32, #tpu.memory_space<hbm>>, %arg5: memref<512xi32, #tpu.memory_space<vmem>>, %arg6: memref<512x64xf32, #tpu.memory_space<vmem>>, %arg7: memref<!tpu.dma_semaphore, #tpu.memory_space<semaphore_mem>>, %arg8: memref<!tpu.dma_semaphore, #tpu.memory_space<semaphore_mem>>, %arg9: memref<!tpu.dma_semaphore, #tpu.memory_space<semaphore_mem>>, %arg10: memref<!tpu.dma_semaphore, #tpu.memory_space<semaphore_mem>>, %arg11: memref<!tpu.dma_semaphore, #tpu.memory_space<semaphore_mem>>) attributes {dimension_semantics = [#tpu.dimension_semantics<core_parallel>, #tpu.dimension_semantics<subcore_parallel>], iteration_bounds = array<i64: 2, 16>, scalar_prefetch = 0 : i64, scratch_operands = 7 : i64, tpu.core_type = #tpu.core_type<sc_vector_subcore>, window_params = [{transform_indices = #map}, {transform_indices = #map1}, {transform_indices = #map1}]} {
    %mul3A = arith.constant 2 : i32
    %mul3A_0 = arith.muli %arg1, %mul3A : i32
    %add3A = arith.addi %mul3A_0, %arg0 : i32
    %mul3A_1 = arith.constant 512 : i32
    %mul3A_2 = arith.muli %add3A, %mul3A_1 : i32
    "tpu.region"() ({
      %run_scoped3A = tpu.sem_alloc : memref<!tpu.dma_semaphore, #tpu.memory_space<semaphore_mem>>
      %dma_start3A_128 = tpu.memref_slice %arg2[%mul3A_2] : memref<16384xi32, #tpu.memory_space<hbm>> -> memref<512xi32, #tpu.memory_space<hbm>>
      %dma_start3A_129 = tpu.memref_slice %arg2[%mul3A_2] : memref<16384xi32, #tpu.memory_space<hbm>> -> memref<512xi32, #tpu.memory_space<hbm>>
      tpu.enqueue_dma source(%dma_start3A_129 : memref<512xi32, #tpu.memory_space<hbm>>) target(%arg5 : memref<512xi32, #tpu.memory_space<vmem>>) target_semaphore(%run_scoped3A : memref<!tpu.dma_semaphore, #tpu.memory_space<semaphore_mem>>)
      %dma_wait3A_130 = tpu.memref_slice %arg2[%mul3A_2] : memref<16384xi32, #tpu.memory_space<hbm>> -> memref<512xi32, #tpu.memory_space<hbm>>
      %dma_wait3A_131 = tpu.memref_slice %arg2[%mul3A_2] : memref<16384xi32, #tpu.memory_space<hbm>> -> memref<512xi32, #tpu.memory_space<hbm>>
      tpu.wait_dma2 semaphore(%run_scoped3A : memref<!tpu.dma_semaphore, #tpu.memory_space<semaphore_mem>>) src(%dma_wait3A_131 : memref<512xi32, #tpu.memory_space<hbm>>) dst(%arg5 : memref<512xi32, #tpu.memory_space<vmem>>)
      tpu.yield
    }) : () -> ()
    %scan3A = arith.constant 0 : i32
    %scan3A_3 = arith.constant 0 : i32
    %scan3A_4 = arith.constant 8 : i32
    %scan3A_5 = arith.addi %scan3A_3, %scan3A_4 : i32
    %scan3A_6 = arith.constant 1 : i32
    %scan3A_7 = scf.for %scan3A_128 = %scan3A_3 to %scan3A_5 step %scan3A_6 iter_args(%scan3A_129 = %scan3A) -> (i32)  : i32 {
      %mul3A_130 = arith.constant 16 : i32
      %mul3A_131 = arith.muli %scan3A_128, %mul3A_130 : i32
      %add3A_132 = arith.constant 0 : i32
      %add3A_133 = arith.addi %add3A_132, %mul3A_131 : i32
      %get3A = arith.index_cast %add3A_133 : i32 to index
      %get3A_134 = tpu.vector_load %arg5[%get3A] {strides = array<i32>} : memref<512xi32, #tpu.memory_space<vmem>>, vector<16xi32>,
      %get3A_135 = vector.shape_cast %get3A_134 : vector<16xi32> to vector<16xi32>
      %slice3A = vector.extract_strided_slice %get3A_135 {offsets = [0], sizes = [1], strides = [1]} : vector<16xi32> to vector<1xi32>
      %squeeze3A = vector.extract %slice3A[0] : i32 from vector<1xi32>
      %add3A_136 = arith.constant 0 : i32
      %add3A_137 = arith.addi %add3A_133, %add3A_136 : i32
      %dma_start3A_138 = arith.constant 0 : i32
      %dma_start3A_139 = tpu.memref_slice %arg6[%add3A_137, %dma_start3A_138] : memref<512x64xf32, #tpu.memory_space<vmem>> -> memref<1x64xf32, #tpu.memory_space<vmem>>
      %dma_start3A_140 = tpu.memref_squeeze %dma_start3A_139 : memref<1x64xf32, #tpu.memory_space<vmem>> -> memref<64xf32, #tpu.memory_space<vmem>>
      %dma_start3A_141 = arith.constant 0 : i32
      %dma_start3A_142 = tpu.memref_slice %arg3[%squeeze3A, %dma_start3A_141] : memref<1000000x64xf32, #tpu.memory_space<hbm>> -> memref<1x64xf32, #tpu.memory_space<hbm>>
      %dma_start3A_143 = tpu.memref_squeeze %dma_start3A_142 : memref<1x64xf32, #tpu.memory_space<hbm>> -> memref<64xf32, #tpu.memory_space<hbm>>
      %dma_start3A_144 = arith.constant 0 : i32
      %dma_start3A_145 = tpu.memref_slice %arg6[%add3A_137, %dma_start3A_144] : memref<512x64xf32, #tpu.memory_space<vmem>> -> memref<1x64xf32, #tpu.memory_space<vmem>>
      %dma_start3A_146 = tpu.memref_squeeze %dma_start3A_145 : memref<1x64xf32, #tpu.memory_space<vmem>> -> memref<64xf32, #tpu.memory_space<vmem>>
      %dma_start3A_147 = arith.constant 0 : i32
      %dma_start3A_148 = tpu.memref_slice %arg3[%squeeze3A, %dma_start3A_147] : memref<1000000x64xf32, #tpu.memory_space<hbm>> -> memref<1x64xf32, #tpu.memory_space<hbm>>
      %dma_start3A_149 = tpu.memref_squeeze %dma_start3A_148 : memref<1x64xf32, #tpu.memory_space<hbm>> -> memref<64xf32, #tpu.memory_space<hbm>>
      tpu.enqueue_dma source(%dma_start3A_149 : memref<64xf32, #tpu.memory_space<hbm>>) target(%dma_start3A_146 : memref<64xf32, #tpu.memory_space<vmem>>) target_semaphore(%arg7 : memref<!tpu.dma_semaphore, #tpu.memory_space<semaphore_mem>>)
      %slice3A_150 = vector.extract_strided_slice %get3A_135 {offsets = [1], sizes = [1], strides = [1]} : vector<16xi32> to vector<1xi32>
      %squeeze3A_151 = vector.extract %slice3A_150[0] : i32 from vector<1xi32>
      %add3A_152 = arith.constant 1 : i32
      %add3A_153 = arith.addi %add3A_133, %add3A_152 : i32
      %dma_start3A_154 = arith.constant 0 : i32
      %dma_start3A_155 = tpu.memref_slice %arg6[%add3A_153, %dma_start3A_154] : memref<512x64xf32, #tpu.memory_space<vmem>> -> memref<1x64xf32, #tpu.memory_space<vmem>>
      %dma_start3A_156 = tpu.memref_squeeze %dma_start3A_155 : memref<1x64xf32, #tpu.memory_space<vmem>> -> memref<64xf32, #tpu.memory_space<vmem>>
      %dma_start3A_157 = arith.constant 0 : i32
      %dma_start3A_158 = tpu.memref_slice %arg3[%squeeze3A_151, %dma_start3A_157] : memref<1000000x64xf32, #tpu.memory_space<hbm>> -> memref<1x64xf32, #tpu.memory_space<hbm>>
      %dma_start3A_159 = tpu.memref_squeeze %dma_start3A_158 : memref<1x64xf32, #tpu.memory_space<hbm>> -> memref<64xf32, #tpu.memory_space<hbm>>
      %dma_start3A_160 = arith.constant 0 : i32
      %dma_start3A_161 = tpu.memref_slice %arg6[%add3A_153, %dma_start3A_160] : memref<512x64xf32, #tpu.memory_space<vmem>> -> memref<1x64xf32, #tpu.memory_space<vmem>>
      %dma_start3A_162 = tpu.memref_squeeze %dma_start3A_161 : memref<1x64xf32, #tpu.memory_space<vmem>> -> memref<64xf32, #tpu.memory_space<vmem>>
      %dma_start3A_163 = arith.constant 0 : i32
      %dma_start3A_164 = tpu.memref_slice %arg3[%squeeze3A_151, %dma_start3A_163] : memref<1000000x64xf32, #tpu.memory_space<hbm>> -> memref<1x64xf32, #tpu.memory_space<hbm>>
      %dma_start3A_165 = tpu.memref_squeeze %dma_start3A_164 : memref<1x64xf32, #tpu.memory_space<hbm>> -> memref<64xf32, #tpu.memory_space<hbm>>
      tpu.enqueue_dma source(%dma_start3A_165 : memref<64xf32, #tpu.memory_space<hbm>>) target(%dma_start3A_162 : memref<64xf32, #tpu.memory_space<vmem>>) target_semaphore(%arg7 : memref<!tpu.dma_semaphore, #tpu.memory_space<semaphore_mem>>)
      %slice3A_166 = vector.extract_strided_slice %get3A_135 {offsets = [2], sizes = [1], strides = [1]} : vector<16xi32> to vector<1xi32>
      %squeeze3A_167 = vector.extract %slice3A_166[0] : i32 from vector<1xi32>
      %add3A_168 = arith.constant 2 : i32
      %add3A_169 = arith.addi %add3A_133, %add3A_168 : i32
      %dma_start3A_170 = arith.constant 0 : i32
      %dma_start3A_171 = tpu.memref_slice %arg6[%add3A_169, %dma_start3A_170] : memref<512x64xf32, #tpu.memory_space<vmem>> -> memref<1x64xf32, #tpu.memory_space<vmem>>
      %dma_start3A_172 = tpu.memref_squeeze %dma_start3A_171 : memref<1x64xf32, #tpu.memory_space<vmem>> -> memref<64xf32, #tpu.memory_space<vmem>>
      %dma_start3A_173 = arith.constant 0 : i32
      %dma_start3A_174 = tpu.memref_slice %arg3[%squeeze3A_167, %dma_start3A_173] : memref<1000000x64xf32, #tpu.memory_space<hbm>> -> memref<1x64xf32, #tpu.memory_space<hbm>>
      %dma_start3A_175 = tpu.memref_squeeze %dma_start3A_174 : memref<1x64xf32, #tpu.memory_space<hbm>> -> memref<64xf32, #tpu.memory_space<hbm>>
      %dma_start3A_176 = arith.constant 0 : i32
      %dma_start3A_177 = tpu.memref_slice %arg6[%add3A_169, %dma_start3A_176] : memref<512x64xf32, #tpu.memory_space<vmem>> -> memref<1x64xf32, #tpu.memory_space<vmem>>
      %dma_start3A_178 = tpu.memref_squeeze %dma_start3A_177 : memref<1x64xf32, #tpu.memory_space<vmem>> -> memref<64xf32, #tpu.memory_space<vmem>>
      %dma_start3A_179 = arith.constant 0 : i32
      %dma_start3A_180 = tpu.memref_slice %arg3[%squeeze3A_167, %dma_start3A_179] : memref<1000000x64xf32, #tpu.memory_space<hbm>> -> memref<1x64xf32, #tpu.memory_space<hbm>>
      %dma_start3A_181 = tpu.memref_squeeze %dma_start3A_180 : memref<1x64xf32, #tpu.memory_space<hbm>> -> memref<64xf32, #tpu.memory_space<hbm>>
      tpu.enqueue_dma source(%dma_start3A_181 : memref<64xf32, #tpu.memory_space<hbm>>) target(%dma_start3A_178 : memref<64xf32, #tpu.memory_space<vmem>>) target_semaphore(%arg7 : memref<!tpu.dma_semaphore, #tpu.memory_space<semaphore_mem>>)
      %slice3A_182 = vector.extract_strided_slice %get3A_135 {offsets = [3], sizes = [1], strides = [1]} : vector<16xi32> to vector<1xi32>
      %squeeze3A_183 = vector.extract %slice3A_182[0] : i32 from vector<1xi32>
      %add3A_184 = arith.constant 3 : i32
      %add3A_185 = arith.addi %add3A_133, %add3A_184 : i32
      %dma_start3A_186 = arith.constant 0 : i32
      %dma_start3A_187 = tpu.memref_slice %arg6[%add3A_185, %dma_start3A_186] : memref<512x64xf32, #tpu.memory_space<vmem>> -> memref<1x64xf32, #tpu.memory_space<vmem>>
      %dma_start3A_188 = tpu.memref_squeeze %dma_start3A_187 : memref<1x64xf32, #tpu.memory_space<vmem>> -> memref<64xf32, #tpu.memory_space<vmem>>
      %dma_start3A_189 = arith.constant 0 : i32
      %dma_start3A_190 = tpu.memref_slice %arg3[%squeeze3A_183, %dma_start3A_189] : memref<1000000x64xf32, #tpu.memory_space<hbm>> -> memref<1x64xf32, #tpu.memory_space<hbm>>
      %dma_start3A_191 = tpu.memref_squeeze %dma_start3A_190 : memref<1x64xf32, #tpu.memory_space<hbm>> -> memref<64xf32, #tpu.memory_space<hbm>>
      %dma_start3A_192 = arith.constant 0 : i32
      %dma_start3A_193 = tpu.memref_slice %arg6[%add3A_185, %dma_start3A_192] : memref<512x64xf32, #tpu.memory_space<vmem>> -> memref<1x64xf32, #tpu.memory_space<vmem>>
      %dma_start3A_194 = tpu.memref_squeeze %dma_start3A_193 : memref<1x64xf32, #tpu.memory_space<vmem>> -> memref<64xf32, #tpu.memory_space<vmem>>
      %dma_start3A_195 = arith.constant 0 : i32
      %dma_start3A_196 = tpu.memref_slice %arg3[%squeeze3A_183, %dma_start3A_195] : memref<1000000x64xf32, #tpu.memory_space<hbm>> -> memref<1x64xf32, #tpu.memory_space<hbm>>
      %dma_start3A_197 = tpu.memref_squeeze %dma_start3A_196 : memref<1x64xf32, #tpu.memory_space<hbm>> -> memref<64xf32, #tpu.memory_space<hbm>>
      tpu.enqueue_dma source(%dma_start3A_197 : memref<64xf32, #tpu.memory_space<hbm>>) target(%dma_start3A_194 : memref<64xf32, #tpu.memory_space<vmem>>) target_semaphore(%arg7 : memref<!tpu.dma_semaphore, #tpu.memory_space<semaphore_mem>>)
      %slice3A_198 = vector.extract_strided_slice %get3A_135 {offsets = [4], sizes = [1], strides = [1]} : vector<16xi32> to vector<1xi32>
      %squeeze3A_199 = vector.extract %slice3A_198[0] : i32 from vector<1xi32>
      %add3A_200 = arith.constant 4 : i32
      %add3A_201 = arith.addi %add3A_133, %add3A_200 : i32
      %dma_start3A_202 = arith.constant 0 : i32
      %dma_start3A_203 = tpu.memref_slice %arg6[%add3A_201, %dma_start3A_202] : memref<512x64xf32, #tpu.memory_space<vmem>> -> memref<1x64xf32, #tpu.memory_space<vmem>>
      %dma_start3A_204 = tpu.memref_squeeze %dma_start3A_203 : memref<1x64xf32, #tpu.memory_space<vmem>> -> memref<64xf32, #tpu.memory_space<vmem>>
      %dma_start3A_205 = arith.constant 0 : i32
      %dma_start3A_206 = tpu.memref_slice %arg3[%squeeze3A_199, %dma_start3A_205] : memref<1000000x64xf32, #tpu.memory_space<hbm>> -> memref<1x64xf32, #tpu.memory_space<hbm>>
      %dma_start3A_207 = tpu.memref_squeeze %dma_start3A_206 : memref<1x64xf32, #tpu.memory_space<hbm>> -> memref<64xf32, #tpu.memory_space<hbm>>
      %dma_start3A_208 = arith.constant 0 : i32
      %dma_start3A_209 = tpu.memref_slice %arg6[%add3A_201, %dma_start3A_208] : memref<512x64xf32, #tpu.memory_space<vmem>> -> memref<1x64xf32, #tpu.memory_space<vmem>>
      %dma_start3A_210 = tpu.memref_squeeze %dma_start3A_209 : memref<1x64xf32, #tpu.memory_space<vmem>> -> memref<64xf32, #tpu.memory_space<vmem>>
      %dma_start3A_211 = arith.constant 0 : i32
      %dma_start3A_212 = tpu.memref_slice %arg3[%squeeze3A_199, %dma_start3A_211] : memref<1000000x64xf32, #tpu.memory_space<hbm>> -> memref<1x64xf32, #tpu.memory_space<hbm>>
      %dma_start3A_213 = tpu.memref_squeeze %dma_start3A_212 : memref<1x64xf32, #tpu.memory_space<hbm>> -> memref<64xf32, #tpu.memory_space<hbm>>
      tpu.enqueue_dma source(%dma_start3A_213 : memref<64xf32, #tpu.memory_space<hbm>>) target(%dma_start3A_210 : memref<64xf32, #tpu.memory_space<vmem>>) target_semaphore(%arg7 : memref<!tpu.dma_semaphore, #tpu.memory_space<semaphore_mem>>)
      %slice3A_214 = vector.extract_strided_slice %get3A_135 {offsets = [5], sizes = [1], strides = [1]} : vector<16xi32> to vector<1xi32>
      %squeeze3A_215 = vector.extract %slice3A_214[0] : i32 from vector<1xi32>
      %add3A_216 = arith.constant 5 : i32
      %add3A_217 = arith.addi %add3A_133, %add3A_216 : i32
      %dma_start3A_218 = arith.constant 0 : i32
      %dma_start3A_219 = tpu.memref_slice %arg6[%add3A_217, %dma_start3A_218] : memref<512x64xf32, #tpu.memory_space<vmem>> -> memref<1x64xf32, #tpu.memory_space<vmem>>
      %dma_start3A_220 = tpu.memref_squeeze %dma_start3A_219 : memref<1x64xf32, #tpu.memory_space<vmem>> -> memref<64xf32, #tpu.memory_space<vmem>>
      %dma_start3A_221 = arith.constant 0 : i32
      %dma_start3A_222 = tpu.memref_slice %arg3[%squeeze3A_215, %dma_start3A_221] : memref<1000000x64xf32, #tpu.memory_space<hbm>> -> memref<1x64xf32, #tpu.memory_space<hbm>>
      %dma_start3A_223 = tpu.memref_squeeze %dma_start3A_222 : memref<1x64xf32, #tpu.memory_space<hbm>> -> memref<64xf32, #tpu.memory_space<hbm>>
      %dma_start3A_224 = arith.constant 0 : i32
      %dma_start3A_225 = tpu.memref_slice %arg6[%add3A_217, %dma_start3A_224] : memref<512x64xf32, #tpu.memory_space<vmem>> -> memref<1x64xf32, #tpu.memory_space<vmem>>
      %dma_start3A_226 = tpu.memref_squeeze %dma_start3A_225 : memref<1x64xf32, #tpu.memory_space<vmem>> -> memref<64xf32, #tpu.memory_space<vmem>>
      %dma_start3A_227 = arith.constant 0 : i32
      %dma_start3A_228 = tpu.memref_slice %arg3[%squeeze3A_215, %dma_start3A_227] : memref<1000000x64xf32, #tpu.memory_space<hbm>> -> memref<1x64xf32, #tpu.memory_space<hbm>>
      %dma_start3A_229 = tpu.memref_squeeze %dma_start3A_228 : memref<1x64xf32, #tpu.memory_space<hbm>> -> memref<64xf32, #tpu.memory_space<hbm>>
      tpu.enqueue_dma source(%dma_start3A_229 : memref<64xf32, #tpu.memory_space<hbm>>) target(%dma_start3A_226 : memref<64xf32, #tpu.memory_space<vmem>>) target_semaphore(%arg7 : memref<!tpu.dma_semaphore, #tpu.memory_space<semaphore_mem>>)
      %slice3A_230 = vector.extract_strided_slice %get3A_135 {offsets = [6], sizes = [1], strides = [1]} : vector<16xi32> to vector<1xi32>
      %squeeze3A_231 = vector.extract %slice3A_230[0] : i32 from vector<1xi32>
      %add3A_232 = arith.constant 6 : i32
      %add3A_233 = arith.addi %add3A_133, %add3A_232 : i32
      %dma_start3A_234 = arith.constant 0 : i32
      %dma_start3A_235 = tpu.memref_slice %arg6[%add3A_233, %dma_start3A_234] : memref<512x64xf32, #tpu.memory_space<vmem>> -> memref<1x64xf32, #tpu.memory_space<vmem>>
      %dma_start3A_236 = tpu.memref_squeeze %dma_start3A_235 : memref<1x64xf32, #tpu.memory_space<vmem>> -> memref<64xf32, #tpu.memory_space<vmem>>
      %dma_start3A_237 = arith.constant 0 : i32
      %dma_start3A_238 = tpu.memref_slice %arg3[%squeeze3A_231, %dma_start3A_237] : memref<1000000x64xf32, #tpu.memory_space<hbm>> -> memref<1x64xf32, #tpu.memory_space<hbm>>
      %dma_start3A_239 = tpu.memref_squeeze %dma_start3A_238 : memref<1x64xf32, #tpu.memory_space<hbm>> -> memref<64xf32, #tpu.memory_space<hbm>>
      %dma_start3A_240 = arith.constant 0 : i32
      %dma_start3A_241 = tpu.memref_slice %arg6[%add3A_233, %dma_start3A_240] : memref<512x64xf32, #tpu.memory_space<vmem>> -> memref<1x64xf32, #tpu.memory_space<vmem>>
      %dma_start3A_242 = tpu.memref_squeeze %dma_start3A_241 : memref<1x64xf32, #tpu.memory_space<vmem>> -> memref<64xf32, #tpu.memory_space<vmem>>
      %dma_start3A_243 = arith.constant 0 : i32
      %dma_start3A_244 = tpu.memref_slice %arg3[%squeeze3A_231, %dma_start3A_243] : memref<1000000x64xf32, #tpu.memory_space<hbm>> -> memref<1x64xf32, #tpu.memory_space<hbm>>
      %dma_start3A_245 = tpu.memref_squeeze %dma_start3A_244 : memref<1x64xf32, #tpu.memory_space<hbm>> -> memref<64xf32, #tpu.memory_space<hbm>>
      tpu.enqueue_dma source(%dma_start3A_245 : memref<64xf32, #tpu.memory_space<hbm>>) target(%dma_start3A_242 : memref<64xf32, #tpu.memory_space<vmem>>) target_semaphore(%arg7 : memref<!tpu.dma_semaphore, #tpu.memory_space<semaphore_mem>>)
      %slice3A_246 = vector.extract_strided_slice %get3A_135 {offsets = [7], sizes = [1], strides = [1]} : vector<16xi32> to vector<1xi32>
      %squeeze3A_247 = vector.extract %slice3A_246[0] : i32 from vector<1xi32>
      %add3A_248 = arith.constant 7 : i32
      %add3A_249 = arith.addi %add3A_133, %add3A_248 : i32
      %dma_start3A_250 = arith.constant 0 : i32
      %dma_start3A_251 = tpu.memref_slice %arg6[%add3A_249, %dma_start3A_250] : memref<512x64xf32, #tpu.memory_space<vmem>> -> memref<1x64xf32, #tpu.memory_space<vmem>>
      %dma_start3A_252 = tpu.memref_squeeze %dma_start3A_251 : memref<1x64xf32, #tpu.memory_space<vmem>> -> memref<64xf32, #tpu.memory_space<vmem>>
      %dma_start3A_253 = arith.constant 0 : i32
      %dma_start3A_254 = tpu.memref_slice %arg3[%squeeze3A_247, %dma_start3A_253] : memref<1000000x64xf32, #tpu.memory_space<hbm>> -> memref<1x64xf32, #tpu.memory_space<hbm>>
      %dma_start3A_255 = tpu.memref_squeeze %dma_start3A_254 : memref<1x64xf32, #tpu.memory_space<hbm>> -> memref<64xf32, #tpu.memory_space<hbm>>
      %dma_start3A_256 = arith.constant 0 : i32
      %dma_start3A_257 = tpu.memref_slice %arg6[%add3A_249, %dma_start3A_256] : memref<512x64xf32, #tpu.memory_space<vmem>> -> memref<1x64xf32, #tpu.memory_space<vmem>>
      %dma_start3A_258 = tpu.memref_squeeze %dma_start3A_257 : memref<1x64xf32, #tpu.memory_space<vmem>> -> memref<64xf32, #tpu.memory_space<vmem>>
      %dma_start3A_259 = arith.constant 0 : i32
      %dma_start3A_260 = tpu.memref_slice %arg3[%squeeze3A_247, %dma_start3A_259] : memref<1000000x64xf32, #tpu.memory_space<hbm>> -> memref<1x64xf32, #tpu.memory_space<hbm>>
      %dma_start3A_261 = tpu.memref_squeeze %dma_start3A_260 : memref<1x64xf32, #tpu.memory_space<hbm>> -> memref<64xf32, #tpu.memory_space<hbm>>
      tpu.enqueue_dma source(%dma_start3A_261 : memref<64xf32, #tpu.memory_space<hbm>>) target(%dma_start3A_258 : memref<64xf32, #tpu.memory_space<vmem>>) target_semaphore(%arg7 : memref<!tpu.dma_semaphore, #tpu.memory_space<semaphore_mem>>)
      %slice3A_262 = vector.extract_strided_slice %get3A_135 {offsets = [8], sizes = [1], strides = [1]} : vector<16xi32> to vector<1xi32>
      %squeeze3A_263 = vector.extract %slice3A_262[0] : i32 from vector<1xi32>
      %add3A_264 = arith.constant 8 : i32
      %add3A_265 = arith.addi %add3A_133, %add3A_264 : i32
      %dma_start3A_266 = arith.constant 0 : i32
      %dma_start3A_267 = tpu.memref_slice %arg6[%add3A_265, %dma_start3A_266] : memref<512x64xf32, #tpu.memory_space<vmem>> -> memref<1x64xf32, #tpu.memory_space<vmem>>
      %dma_start3A_268 = tpu.memref_squeeze %dma_start3A_267 : memref<1x64xf32, #tpu.memory_space<vmem>> -> memref<64xf32, #tpu.memory_space<vmem>>
      %dma_start3A_269 = arith.constant 0 : i32
      %dma_start3A_270 = tpu.memref_slice %arg3[%squeeze3A_263, %dma_start3A_269] : memref<1000000x64xf32, #tpu.memory_space<hbm>> -> memref<1x64xf32, #tpu.memory_space<hbm>>
      %dma_start3A_271 = tpu.memref_squeeze %dma_start3A_270 : memref<1x64xf32, #tpu.memory_space<hbm>> -> memref<64xf32, #tpu.memory_space<hbm>>
      %dma_start3A_272 = arith.constant 0 : i32
      %dma_start3A_273 = tpu.memref_slice %arg6[%add3A_265, %dma_start3A_272] : memref<512x64xf32, #tpu.memory_space<vmem>> -> memref<1x64xf32, #tpu.memory_space<vmem>>
      %dma_start3A_274 = tpu.memref_squeeze %dma_start3A_273 : memref<1x64xf32, #tpu.memory_space<vmem>> -> memref<64xf32, #tpu.memory_space<vmem>>
      %dma_start3A_275 = arith.constant 0 : i32
      %dma_start3A_276 = tpu.memref_slice %arg3[%squeeze3A_263, %dma_start3A_275] : memref<1000000x64xf32, #tpu.memory_space<hbm>> -> memref<1x64xf32, #tpu.memory_space<hbm>>
      %dma_start3A_277 = tpu.memref_squeeze %dma_start3A_276 : memref<1x64xf32, #tpu.memory_space<hbm>> -> memref<64xf32, #tpu.memory_space<hbm>>
      tpu.enqueue_dma source(%dma_start3A_277 : memref<64xf32, #tpu.memory_space<hbm>>) target(%dma_start3A_274 : memref<64xf32, #tpu.memory_space<vmem>>) target_semaphore(%arg7 : memref<!tpu.dma_semaphore, #tpu.memory_space<semaphore_mem>>)
      %slice3A_278 = vector.extract_strided_slice %get3A_135 {offsets = [9], sizes = [1], strides = [1]} : vector<16xi32> to vector<1xi32>
      %squeeze3A_279 = vector.extract %slice3A_278[0] : i32 from vector<1xi32>
      %add3A_280 = arith.constant 9 : i32
      %add3A_281 = arith.addi %add3A_133, %add3A_280 : i32
      %dma_start3A_282 = arith.constant 0 : i32
      %dma_start3A_283 = tpu.memref_slice %arg6[%add3A_281, %dma_start3A_282] : memref<512x64xf32, #tpu.memory_space<vmem>> -> memref<1x64xf32, #tpu.memory_space<vmem>>
      %dma_start3A_284 = tpu.memref_squeeze %dma_start3A_283 : memref<1x64xf32, #tpu.memory_space<vmem>> -> memref<64xf32, #tpu.memory_space<vmem>>
      %dma_start3A_285 = arith.constant 0 : i32
      %dma_start3A_286 = tpu.memref_slice %arg3[%squeeze3A_279, %dma_start3A_285] : memref<1000000x64xf32, #tpu.memory_space<hbm>> -> memref<1x64xf32, #tpu.memory_space<hbm>>
      %dma_start3A_287 = tpu.memref_squeeze %dma_start3A_286 : memref<1x64xf32, #tpu.memory_space<hbm>> -> memref<64xf32, #tpu.memory_space<hbm>>
      %dma_start3A_288 = arith.constant 0 : i32
      %dma_start3A_289 = tpu.memref_slice %arg6[%add3A_281, %dma_start3A_288] : memref<512x64xf32, #tpu.memory_space<vmem>> -> memref<1x64xf32, #tpu.memory_space<vmem>>
      %dma_start3A_290 = tpu.memref_squeeze %dma_start3A_289 : memref<1x64xf32, #tpu.memory_space<vmem>> -> memref<64xf32, #tpu.memory_space<vmem>>
      %dma_start3A_291 = arith.constant 0 : i32
      %dma_start3A_292 = tpu.memref_slice %arg3[%squeeze3A_279, %dma_start3A_291] : memref<1000000x64xf32, #tpu.memory_space<hbm>> -> memref<1x64xf32, #tpu.memory_space<hbm>>
      %dma_start3A_293 = tpu.memref_squeeze %dma_start3A_292 : memref<1x64xf32, #tpu.memory_space<hbm>> -> memref<64xf32, #tpu.memory_space<hbm>>
      tpu.enqueue_dma source(%dma_start3A_293 : memref<64xf32, #tpu.memory_space<hbm>>) target(%dma_start3A_290 : memref<64xf32, #tpu.memory_space<vmem>>) target_semaphore(%arg7 : memref<!tpu.dma_semaphore, #tpu.memory_space<semaphore_mem>>)
      %slice3A_294 = vector.extract_strided_slice %get3A_135 {offsets = [10], sizes = [1], strides = [1]} : vector<16xi32> to vector<1xi32>
      %squeeze3A_295 = vector.extract %slice3A_294[0] : i32 from vector<1xi32>
      %add3A_296 = arith.constant 10 : i32
      %add3A_297 = arith.addi %add3A_133, %add3A_296 : i32
      %dma_start3A_298 = arith.constant 0 : i32
      %dma_start3A_299 = tpu.memref_slice %arg6[%add3A_297, %dma_start3A_298] : memref<512x64xf32, #tpu.memory_space<vmem>> -> memref<1x64xf32, #tpu.memory_space<vmem>>
      %dma_start3A_300 = tpu.memref_squeeze %dma_start3A_299 : memref<1x64xf32, #tpu.memory_space<vmem>> -> memref<64xf32, #tpu.memory_space<vmem>>
      %dma_start3A_301 = arith.constant 0 : i32
      %dma_start3A_302 = tpu.memref_slice %arg3[%squeeze3A_295, %dma_start3A_301] : memref<1000000x64xf32, #tpu.memory_space<hbm>> -> memref<1x64xf32, #tpu.memory_space<hbm>>
      %dma_start3A_303 = tpu.memref_squeeze %dma_start3A_302 : memref<1x64xf32, #tpu.memory_space<hbm>> -> memref<64xf32, #tpu.memory_space<hbm>>
      %dma_start3A_304 = arith.constant 0 : i32
      %dma_start3A_305 = tpu.memref_slice %arg6[%add3A_297, %dma_start3A_304] : memref<512x64xf32, #tpu.memory_space<vmem>> -> memref<1x64xf32, #tpu.memory_space<vmem>>
      %dma_start3A_306 = tpu.memref_squeeze %dma_start3A_305 : memref<1x64xf32, #tpu.memory_space<vmem>> -> memref<64xf32, #tpu.memory_space<vmem>>
      %dma_start3A_307 = arith.constant 0 : i32
      %dma_start3A_308 = tpu.memref_slice %arg3[%squeeze3A_295, %dma_start3A_307] : memref<1000000x64xf32, #tpu.memory_space<hbm>> -> memref<1x64xf32, #tpu.memory_space<hbm>>
      %dma_start3A_309 = tpu.memref_squeeze %dma_start3A_308 : memref<1x64xf32, #tpu.memory_space<hbm>> -> memref<64xf32, #tpu.memory_space<hbm>>
      tpu.enqueue_dma source(%dma_start3A_309 : memref<64xf32, #tpu.memory_space<hbm>>) target(%dma_start3A_306 : memref<64xf32, #tpu.memory_space<vmem>>) target_semaphore(%arg7 : memref<!tpu.dma_semaphore, #tpu.memory_space<semaphore_mem>>)
      %slice3A_310 = vector.extract_strided_slice %get3A_135 {offsets = [11], sizes = [1], strides = [1]} : vector<16xi32> to vector<1xi32>
      %squeeze3A_311 = vector.extract %slice3A_310[0] : i32 from vector<1xi32>
      %add3A_312 = arith.constant 11 : i32
      %add3A_313 = arith.addi %add3A_133, %add3A_312 : i32
      %dma_start3A_314 = arith.constant 0 : i32
      %dma_start3A_315 = tpu.memref_slice %arg6[%add3A_313, %dma_start3A_314] : memref<512x64xf32, #tpu.memory_space<vmem>> -> memref<1x64xf32, #tpu.memory_space<vmem>>
      %dma_start3A_316 = tpu.memref_squeeze %dma_start3A_315 : memref<1x64xf32, #tpu.memory_space<vmem>> -> memref<64xf32, #tpu.memory_space<vmem>>
      %dma_start3A_317 = arith.constant 0 : i32
      %dma_start3A_318 = tpu.memref_slice %arg3[%squeeze3A_311, %dma_start3A_317] : memref<1000000x64xf32, #tpu.memory_space<hbm>> -> memref<1x64xf32, #tpu.memory_space<hbm>>
      %dma_start3A_319 = tpu.memref_squeeze %dma_start3A_318 : memref<1x64xf32, #tpu.memory_space<hbm>> -> memref<64xf32, #tpu.memory_space<hbm>>
      %dma_start3A_320 = arith.constant 0 : i32
      %dma_start3A_321 = tpu.memref_slice %arg6[%add3A_313, %dma_start3A_320] : memref<512x64xf32, #tpu.memory_space<vmem>> -> memref<1x64xf32, #tpu.memory_space<vmem>>
      %dma_start3A_322 = tpu.memref_squeeze %dma_start3A_321 : memref<1x64xf32, #tpu.memory_space<vmem>> -> memref<64xf32, #tpu.memory_space<vmem>>
      %dma_start3A_323 = arith.constant 0 : i32
      %dma_start3A_324 = tpu.memref_slice %arg3[%squeeze3A_311, %dma_start3A_323] : memref<1000000x64xf32, #tpu.memory_space<hbm>> -> memref<1x64xf32, #tpu.memory_space<hbm>>
      %dma_start3A_325 = tpu.memref_squeeze %dma_start3A_324 : memref<1x64xf32, #tpu.memory_space<hbm>> -> memref<64xf32, #tpu.memory_space<hbm>>
      tpu.enqueue_dma source(%dma_start3A_325 : memref<64xf32, #tpu.memory_space<hbm>>) target(%dma_start3A_322 : memref<64xf32, #tpu.memory_space<vmem>>) target_semaphore(%arg7 : memref<!tpu.dma_semaphore, #tpu.memory_space<semaphore_mem>>)
      %slice3A_326 = vector.extract_strided_slice %get3A_135 {offsets = [12], sizes = [1], strides = [1]} : vector<16xi32> to vector<1xi32>
      %squeeze3A_327 = vector.extract %slice3A_326[0] : i32 from vector<1xi32>
      %add3A_328 = arith.constant 12 : i32
      %add3A_329 = arith.addi %add3A_133, %add3A_328 : i32
      %dma_start3A_330 = arith.constant 0 : i32
      %dma_start3A_331 = tpu.memref_slice %arg6[%add3A_329, %dma_start3A_330] : memref<512x64xf32, #tpu.memory_space<vmem>> -> memref<1x64xf32, #tpu.memory_space<vmem>>
      %dma_start3A_332 = tpu.memref_squeeze %dma_start3A_331 : memref<1x64xf32, #tpu.memory_space<vmem>> -> memref<64xf32, #tpu.memory_space<vmem>>
      %dma_start3A_333 = arith.constant 0 : i32
      %dma_start3A_334 = tpu.memref_slice %arg3[%squeeze3A_327, %dma_start3A_333] : memref<1000000x64xf32, #tpu.memory_space<hbm>> -> memref<1x64xf32, #tpu.memory_space<hbm>>
      %dma_start3A_335 = tpu.memref_squeeze %dma_start3A_334 : memref<1x64xf32, #tpu.memory_space<hbm>> -> memref<64xf32, #tpu.memory_space<hbm>>
      %dma_start3A_336 = arith.constant 0 : i32
      %dma_start3A_337 = tpu.memref_slice %arg6[%add3A_329, %dma_start3A_336] : memref<512x64xf32, #tpu.memory_space<vmem>> -> memref<1x64xf32, #tpu.memory_space<vmem>>
      %dma_start3A_338 = tpu.memref_squeeze %dma_start3A_337 : memref<1x64xf32, #tpu.memory_space<vmem>> -> memref<64xf32, #tpu.memory_space<vmem>>
      %dma_start3A_339 = arith.constant 0 : i32
      %dma_start3A_340 = tpu.memref_slice %arg3[%squeeze3A_327, %dma_start3A_339] : memref<1000000x64xf32, #tpu.memory_space<hbm>> -> memref<1x64xf32, #tpu.memory_space<hbm>>
      %dma_start3A_341 = tpu.memref_squeeze %dma_start3A_340 : memref<1x64xf32, #tpu.memory_space<hbm>> -> memref<64xf32, #tpu.memory_space<hbm>>
      tpu.enqueue_dma source(%dma_start3A_341 : memref<64xf32, #tpu.memory_space<hbm>>) target(%dma_start3A_338 : memref<64xf32, #tpu.memory_space<vmem>>) target_semaphore(%arg7 : memref<!tpu.dma_semaphore, #tpu.memory_space<semaphore_mem>>)
      %slice3A_342 = vector.extract_strided_slice %get3A_135 {offsets = [13], sizes = [1], strides = [1]} : vector<16xi32> to vector<1xi32>
      %squeeze3A_343 = vector.extract %slice3A_342[0] : i32 from vector<1xi32>
      %add3A_344 = arith.constant 13 : i32
      %add3A_345 = arith.addi %add3A_133, %add3A_344 : i32
      %dma_start3A_346 = arith.constant 0 : i32
      %dma_start3A_347 = tpu.memref_slice %arg6[%add3A_345, %dma_start3A_346] : memref<512x64xf32, #tpu.memory_space<vmem>> -> memref<1x64xf32, #tpu.memory_space<vmem>>
      %dma_start3A_348 = tpu.memref_squeeze %dma_start3A_347 : memref<1x64xf32, #tpu.memory_space<vmem>> -> memref<64xf32, #tpu.memory_space<vmem>>
      %dma_start3A_349 = arith.constant 0 : i32
      %dma_start3A_350 = tpu.memref_slice %arg3[%squeeze3A_343, %dma_start3A_349] : memref<1000000x64xf32, #tpu.memory_space<hbm>> -> memref<1x64xf32, #tpu.memory_space<hbm>>
      %dma_start3A_351 = tpu.memref_squeeze %dma_start3A_350 : memref<1x64xf32, #tpu.memory_space<hbm>> -> memref<64xf32, #tpu.memory_space<hbm>>
      %dma_start3A_352 = arith.constant 0 : i32
      %dma_start3A_353 = tpu.memref_slice %arg6[%add3A_345, %dma_start3A_352] : memref<512x64xf32, #tpu.memory_space<vmem>> -> memref<1x64xf32, #tpu.memory_space<vmem>>
      %dma_start3A_354 = tpu.memref_squeeze %dma_start3A_353 : memref<1x64xf32, #tpu.memory_space<vmem>> -> memref<64xf32, #tpu.memory_space<vmem>>
      %dma_start3A_355 = arith.constant 0 : i32
      %dma_start3A_356 = tpu.memref_slice %arg3[%squeeze3A_343, %dma_start3A_355] : memref<1000000x64xf32, #tpu.memory_space<hbm>> -> memref<1x64xf32, #tpu.memory_space<hbm>>
      %dma_start3A_357 = tpu.memref_squeeze %dma_start3A_356 : memref<1x64xf32, #tpu.memory_space<hbm>> -> memref<64xf32, #tpu.memory_space<hbm>>
      tpu.enqueue_dma source(%dma_start3A_357 : memref<64xf32, #tpu.memory_space<hbm>>) target(%dma_start3A_354 : memref<64xf32, #tpu.memory_space<vmem>>) target_semaphore(%arg7 : memref<!tpu.dma_semaphore, #tpu.memory_space<semaphore_mem>>)
      %slice3A_358 = vector.extract_strided_slice %get3A_135 {offsets = [14], sizes = [1], strides = [1]} : vector<16xi32> to vector<1xi32>
      %squeeze3A_359 = vector.extract %slice3A_358[0] : i32 from vector<1xi32>
      %add3A_360 = arith.constant 14 : i32
      %add3A_361 = arith.addi %add3A_133, %add3A_360 : i32
      %dma_start3A_362 = arith.constant 0 : i32
      %dma_start3A_363 = tpu.memref_slice %arg6[%add3A_361, %dma_start3A_362] : memref<512x64xf32, #tpu.memory_space<vmem>> -> memref<1x64xf32, #tpu.memory_space<vmem>>
      %dma_start3A_364 = tpu.memref_squeeze %dma_start3A_363 : memref<1x64xf32, #tpu.memory_space<vmem>> -> memref<64xf32, #tpu.memory_space<vmem>>
      %dma_start3A_365 = arith.constant 0 : i32
      %dma_start3A_366 = tpu.memref_slice %arg3[%squeeze3A_359, %dma_start3A_365] : memref<1000000x64xf32, #tpu.memory_space<hbm>> -> memref<1x64xf32, #tpu.memory_space<hbm>>
      %dma_start3A_367 = tpu.memref_squeeze %dma_start3A_366 : memref<1x64xf32, #tpu.memory_space<hbm>> -> memref<64xf32, #tpu.memory_space<hbm>>
      %dma_start3A_368 = arith.constant 0 : i32
      %dma_start3A_369 = tpu.memref_slice %arg6[%add3A_361, %dma_start3A_368] : memref<512x64xf32, #tpu.memory_space<vmem>> -> memref<1x64xf32, #tpu.memory_space<vmem>>
      %dma_start3A_370 = tpu.memref_squeeze %dma_start3A_369 : memref<1x64xf32, #tpu.memory_space<vmem>> -> memref<64xf32, #tpu.memory_space<vmem>>
      %dma_start3A_371 = arith.constant 0 : i32
      %dma_start3A_372 = tpu.memref_slice %arg3[%squeeze3A_359, %dma_start3A_371] : memref<1000000x64xf32, #tpu.memory_space<hbm>> -> memref<1x64xf32, #tpu.memory_space<hbm>>
      %dma_start3A_373 = tpu.memref_squeeze %dma_start3A_372 : memref<1x64xf32, #tpu.memory_space<hbm>> -> memref<64xf32, #tpu.memory_space<hbm>>
      tpu.enqueue_dma source(%dma_start3A_373 : memref<64xf32, #tpu.memory_space<hbm>>) target(%dma_start3A_370 : memref<64xf32, #tpu.memory_space<vmem>>) target_semaphore(%arg7 : memref<!tpu.dma_semaphore, #tpu.memory_space<semaphore_mem>>)
      %slice3A_374 = vector.extract_strided_slice %get3A_135 {offsets = [15], sizes = [1], strides = [1]} : vector<16xi32> to vector<1xi32>
      %squeeze3A_375 = vector.extract %slice3A_374[0] : i32 from vector<1xi32>
      %add3A_376 = arith.constant 15 : i32
      %add3A_377 = arith.addi %add3A_133, %add3A_376 : i32
      %dma_start3A_378 = arith.constant 0 : i32
      %dma_start3A_379 = tpu.memref_slice %arg6[%add3A_377, %dma_start3A_378] : memref<512x64xf32, #tpu.memory_space<vmem>> -> memref<1x64xf32, #tpu.memory_space<vmem>>
      %dma_start3A_380 = tpu.memref_squeeze %dma_start3A_379 : memref<1x64xf32, #tpu.memory_space<vmem>> -> memref<64xf32, #tpu.memory_space<vmem>>
      %dma_start3A_381 = arith.constant 0 : i32
      %dma_start3A_382 = tpu.memref_slice %arg3[%squeeze3A_375, %dma_start3A_381] : memref<1000000x64xf32, #tpu.memory_space<hbm>> -> memref<1x64xf32, #tpu.memory_space<hbm>>
      %dma_start3A_383 = tpu.memref_squeeze %dma_start3A_382 : memref<1x64xf32, #tpu.memory_space<hbm>> -> memref<64xf32, #tpu.memory_space<hbm>>
      %dma_start3A_384 = arith.constant 0 : i32
      %dma_start3A_385 = tpu.memref_slice %arg6[%add3A_377, %dma_start3A_384] : memref<512x64xf32, #tpu.memory_space<vmem>> -> memref<1x64xf32, #tpu.memory_space<vmem>>
      %dma_start3A_386 = tpu.memref_squeeze %dma_start3A_385 : memref<1x64xf32, #tpu.memory_space<vmem>> -> memref<64xf32, #tpu.memory_space<vmem>>
      %dma_start3A_387 = arith.constant 0 : i32
      %dma_start3A_388 = tpu.memref_slice %arg3[%squeeze3A_375, %dma_start3A_387] : memref<1000000x64xf32, #tpu.memory_space<hbm>> -> memref<1x64xf32, #tpu.memory_space<hbm>>
      %dma_start3A_389 = tpu.memref_squeeze %dma_start3A_388 : memref<1x64xf32, #tpu.memory_space<hbm>> -> memref<64xf32, #tpu.memory_space<hbm>>
      tpu.enqueue_dma source(%dma_start3A_389 : memref<64xf32, #tpu.memory_space<hbm>>) target(%dma_start3A_386 : memref<64xf32, #tpu.memory_space<vmem>>) target_semaphore(%arg7 : memref<!tpu.dma_semaphore, #tpu.memory_space<semaphore_mem>>)
      %scan3A_390 = arith.constant 0 : i32
      scf.yield %scan3A_390 : i32
    }
    %scan3A_8 = arith.constant 8 : i32
    %scan3A_9 = arith.constant 0 : i32
    %scan3A_10 = arith.constant 0 : i32
    %scan3A_11 = arith.constant 8 : i32
    %scan3A_12 = arith.addi %scan3A_10, %scan3A_11 : i32
    %scan3A_13 = arith.constant 1 : i32
    %scan3A_14 = scf.for %scan3A_128 = %scan3A_10 to %scan3A_12 step %scan3A_13 iter_args(%scan3A_129 = %scan3A_9) -> (i32)  : i32 {
      %mul3A_130 = arith.constant 16 : i32
      %mul3A_131 = arith.muli %scan3A_128, %mul3A_130 : i32
      %add3A_132 = arith.constant 128 : i32
      %add3A_133 = arith.addi %add3A_132, %mul3A_131 : i32
      %get3A = arith.index_cast %add3A_133 : i32 to index
      %get3A_134 = tpu.vector_load %arg5[%get3A] {strides = array<i32>} : memref<512xi32, #tpu.memory_space<vmem>>, vector<16xi32>,
      %get3A_135 = vector.shape_cast %get3A_134 : vector<16xi32> to vector<16xi32>
      %slice3A = vector.extract_strided_slice %get3A_135 {offsets = [0], sizes = [1], strides = [1]} : vector<16xi32> to vector<1xi32>
      %squeeze3A = vector.extract %slice3A[0] : i32 from vector<1xi32>
      %add3A_136 = arith.constant 0 : i32
      %add3A_137 = arith.addi %add3A_133, %add3A_136 : i32
      %dma_start3A_138 = arith.constant 0 : i32
      %dma_start3A_139 = tpu.memref_slice %arg6[%add3A_137, %dma_start3A_138] : memref<512x64xf32, #tpu.memory_space<vmem>> -> memref<1x64xf32, #tpu.memory_space<vmem>>
      %dma_start3A_140 = tpu.memref_squeeze %dma_start3A_139 : memref<1x64xf32, #tpu.memory_space<vmem>> -> memref<64xf32, #tpu.memory_space<vmem>>
      %dma_start3A_141 = arith.constant 0 : i32
      %dma_start3A_142 = tpu.memref_slice %arg3[%squeeze3A, %dma_start3A_141] : memref<1000000x64xf32, #tpu.memory_space<hbm>> -> memref<1x64xf32, #tpu.memory_space<hbm>>
      %dma_start3A_143 = tpu.memref_squeeze %dma_start3A_142 : memref<1x64xf32, #tpu.memory_space<hbm>> -> memref<64xf32, #tpu.memory_space<hbm>>
      %dma_start3A_144 = arith.constant 0 : i32
      %dma_start3A_145 = tpu.memref_slice %arg6[%add3A_137, %dma_start3A_144] : memref<512x64xf32, #tpu.memory_space<vmem>> -> memref<1x64xf32, #tpu.memory_space<vmem>>
      %dma_start3A_146 = tpu.memref_squeeze %dma_start3A_145 : memref<1x64xf32, #tpu.memory_space<vmem>> -> memref<64xf32, #tpu.memory_space<vmem>>
      %dma_start3A_147 = arith.constant 0 : i32
      %dma_start3A_148 = tpu.memref_slice %arg3[%squeeze3A, %dma_start3A_147] : memref<1000000x64xf32, #tpu.memory_space<hbm>> -> memref<1x64xf32, #tpu.memory_space<hbm>>
      %dma_start3A_149 = tpu.memref_squeeze %dma_start3A_148 : memref<1x64xf32, #tpu.memory_space<hbm>> -> memref<64xf32, #tpu.memory_space<hbm>>
      tpu.enqueue_dma source(%dma_start3A_149 : memref<64xf32, #tpu.memory_space<hbm>>) target(%dma_start3A_146 : memref<64xf32, #tpu.memory_space<vmem>>) target_semaphore(%arg8 : memref<!tpu.dma_semaphore, #tpu.memory_space<semaphore_mem>>)
      %slice3A_150 = vector.extract_strided_slice %get3A_135 {offsets = [1], sizes = [1], strides = [1]} : vector<16xi32> to vector<1xi32>
      %squeeze3A_151 = vector.extract %slice3A_150[0] : i32 from vector<1xi32>
      %add3A_152 = arith.constant 1 : i32
      %add3A_153 = arith.addi %add3A_133, %add3A_152 : i32
      %dma_start3A_154 = arith.constant 0 : i32
      %dma_start3A_155 = tpu.memref_slice %arg6[%add3A_153, %dma_start3A_154] : memref<512x64xf32, #tpu.memory_space<vmem>> -> memref<1x64xf32, #tpu.memory_space<vmem>>
      %dma_start3A_156 = tpu.memref_squeeze %dma_start3A_155 : memref<1x64xf32, #tpu.memory_space<vmem>> -> memref<64xf32, #tpu.memory_space<vmem>>
      %dma_start3A_157 = arith.constant 0 : i32
      %dma_start3A_158 = tpu.memref_slice %arg3[%squeeze3A_151, %dma_start3A_157] : memref<1000000x64xf32, #tpu.memory_space<hbm>> -> memref<1x64xf32, #tpu.memory_space<hbm>>
      %dma_start3A_159 = tpu.memref_squeeze %dma_start3A_158 : memref<1x64xf32, #tpu.memory_space<hbm>> -> memref<64xf32, #tpu.memory_space<hbm>>
      %dma_start3A_160 = arith.constant 0 : i32
      %dma_start3A_161 = tpu.memref_slice %arg6[%add3A_153, %dma_start3A_160] : memref<512x64xf32, #tpu.memory_space<vmem>> -> memref<1x64xf32, #tpu.memory_space<vmem>>
      %dma_start3A_162 = tpu.memref_squeeze %dma_start3A_161 : memref<1x64xf32, #tpu.memory_space<vmem>> -> memref<64xf32, #tpu.memory_space<vmem>>
      %dma_start3A_163 = arith.constant 0 : i32
      %dma_start3A_164 = tpu.memref_slice %arg3[%squeeze3A_151, %dma_start3A_163] : memref<1000000x64xf32, #tpu.memory_space<hbm>> -> memref<1x64xf32, #tpu.memory_space<hbm>>
      %dma_start3A_165 = tpu.memref_squeeze %dma_start3A_164 : memref<1x64xf32, #tpu.memory_space<hbm>> -> memref<64xf32, #tpu.memory_space<hbm>>
      tpu.enqueue_dma source(%dma_start3A_165 : memref<64xf32, #tpu.memory_space<hbm>>) target(%dma_start3A_162 : memref<64xf32, #tpu.memory_space<vmem>>) target_semaphore(%arg8 : memref<!tpu.dma_semaphore, #tpu.memory_space<semaphore_mem>>)
      %slice3A_166 = vector.extract_strided_slice %get3A_135 {offsets = [2], sizes = [1], strides = [1]} : vector<16xi32> to vector<1xi32>
      %squeeze3A_167 = vector.extract %slice3A_166[0] : i32 from vector<1xi32>
      %add3A_168 = arith.constant 2 : i32
      %add3A_169 = arith.addi %add3A_133, %add3A_168 : i32
      %dma_start3A_170 = arith.constant 0 : i32
      %dma_start3A_171 = tpu.memref_slice %arg6[%add3A_169, %dma_start3A_170] : memref<512x64xf32, #tpu.memory_space<vmem>> -> memref<1x64xf32, #tpu.memory_space<vmem>>
      %dma_start3A_172 = tpu.memref_squeeze %dma_start3A_171 : memref<1x64xf32, #tpu.memory_space<vmem>> -> memref<64xf32, #tpu.memory_space<vmem>>
      %dma_start3A_173 = arith.constant 0 : i32
      %dma_start3A_174 = tpu.memref_slice %arg3[%squeeze3A_167, %dma_start3A_173] : memref<1000000x64xf32, #tpu.memory_space<hbm>> -> memref<1x64xf32, #tpu.memory_space<hbm>>
      %dma_start3A_175 = tpu.memref_squeeze %dma_start3A_174 : memref<1x64xf32, #tpu.memory_space<hbm>> -> memref<64xf32, #tpu.memory_space<hbm>>
      %dma_start3A_176 = arith.constant 0 : i32
      %dma_start3A_177 = tpu.memref_slice %arg6[%add3A_169, %dma_start3A_176] : memref<512x64xf32, #tpu.memory_space<vmem>> -> memref<1x64xf32, #tpu.memory_space<vmem>>
      %dma_start3A_178 = tpu.memref_squeeze %dma_start3A_177 : memref<1x64xf32, #tpu.memory_space<vmem>> -> memref<64xf32, #tpu.memory_space<vmem>>
      %dma_start3A_179 = arith.constant 0 : i32
      %dma_start3A_180 = tpu.memref_slice %arg3[%squeeze3A_167, %dma_start3A_179] : memref<1000000x64xf32, #tpu.memory_space<hbm>> -> memref<1x64xf32, #tpu.memory_space<hbm>>
      %dma_start3A_181 = tpu.memref_squeeze %dma_start3A_180 : memref<1x64xf32, #tpu.memory_space<hbm>> -> memref<64xf32, #tpu.memory_space<hbm>>
      tpu.enqueue_dma source(%dma_start3A_181 : memref<64xf32, #tpu.memory_space<hbm>>) target(%dma_start3A_178 : memref<64xf32, #tpu.memory_space<vmem>>) target_semaphore(%arg8 : memref<!tpu.dma_semaphore, #tpu.memory_space<semaphore_mem>>)
      %slice3A_182 = vector.extract_strided_slice %get3A_135 {offsets = [3], sizes = [1], strides = [1]} : vector<16xi32> to vector<1xi32>
      %squeeze3A_183 = vector.extract %slice3A_182[0] : i32 from vector<1xi32>
      %add3A_184 = arith.constant 3 : i32
      %add3A_185 = arith.addi %add3A_133, %add3A_184 : i32
      %dma_start3A_186 = arith.constant 0 : i32
      %dma_start3A_187 = tpu.memref_slice %arg6[%add3A_185, %dma_start3A_186] : memref<512x64xf32, #tpu.memory_space<vmem>> -> memref<1x64xf32, #tpu.memory_space<vmem>>
      %dma_start3A_188 = tpu.memref_squeeze %dma_start3A_187 : memref<1x64xf32, #tpu.memory_space<vmem>> -> memref<64xf32, #tpu.memory_space<vmem>>
      %dma_start3A_189 = arith.constant 0 : i32
      %dma_start3A_190 = tpu.memref_slice %arg3[%squeeze3A_183, %dma_start3A_189] : memref<1000000x64xf32, #tpu.memory_space<hbm>> -> memref<1x64xf32, #tpu.memory_space<hbm>>
      %dma_start3A_191 = tpu.memref_squeeze %dma_start3A_190 : memref<1x64xf32, #tpu.memory_space<hbm>> -> memref<64xf32, #tpu.memory_space<hbm>>
      %dma_start3A_192 = arith.constant 0 : i32
      %dma_start3A_193 = tpu.memref_slice %arg6[%add3A_185, %dma_start3A_192] : memref<512x64xf32, #tpu.memory_space<vmem>> -> memref<1x64xf32, #tpu.memory_space<vmem>>
      %dma_start3A_194 = tpu.memref_squeeze %dma_start3A_193 : memref<1x64xf32, #tpu.memory_space<vmem>> -> memref<64xf32, #tpu.memory_space<vmem>>
      %dma_start3A_195 = arith.constant 0 : i32
      %dma_start3A_196 = tpu.memref_slice %arg3[%squeeze3A_183, %dma_start3A_195] : memref<1000000x64xf32, #tpu.memory_space<hbm>> -> memref<1x64xf32, #tpu.memory_space<hbm>>
      %dma_start3A_197 = tpu.memref_squeeze %dma_start3A_196 : memref<1x64xf32, #tpu.memory_space<hbm>> -> memref<64xf32, #tpu.memory_space<hbm>>
      tpu.enqueue_dma source(%dma_start3A_197 : memref<64xf32, #tpu.memory_space<hbm>>) target(%dma_start3A_194 : memref<64xf32, #tpu.memory_space<vmem>>) target_semaphore(%arg8 : memref<!tpu.dma_semaphore, #tpu.memory_space<semaphore_mem>>)
      %slice3A_198 = vector.extract_strided_slice %get3A_135 {offsets = [4], sizes = [1], strides = [1]} : vector<16xi32> to vector<1xi32>
      %squeeze3A_199 = vector.extract %slice3A_198[0] : i32 from vector<1xi32>
      %add3A_200 = arith.constant 4 : i32
      %add3A_201 = arith.addi %add3A_133, %add3A_200 : i32
      %dma_start3A_202 = arith.constant 0 : i32
      %dma_start3A_203 = tpu.memref_slice %arg6[%add3A_201, %dma_start3A_202] : memref<512x64xf32, #tpu.memory_space<vmem>> -> memref<1x64xf32, #tpu.memory_space<vmem>>
      %dma_start3A_204 = tpu.memref_squeeze %dma_start3A_203 : memref<1x64xf32, #tpu.memory_space<vmem>> -> memref<64xf32, #tpu.memory_space<vmem>>
      %dma_start3A_205 = arith.constant 0 : i32
      %dma_start3A_206 = tpu.memref_slice %arg3[%squeeze3A_199, %dma_start3A_205] : memref<1000000x64xf32, #tpu.memory_space<hbm>> -> memref<1x64xf32, #tpu.memory_space<hbm>>
      %dma_start3A_207 = tpu.memref_squeeze %dma_start3A_206 : memref<1x64xf32, #tpu.memory_space<hbm>> -> memref<64xf32, #tpu.memory_space<hbm>>
      %dma_start3A_208 = arith.constant 0 : i32
      %dma_start3A_209 = tpu.memref_slice %arg6[%add3A_201, %dma_start3A_208] : memref<512x64xf32, #tpu.memory_space<vmem>> -> memref<1x64xf32, #tpu.memory_space<vmem>>
      %dma_start3A_210 = tpu.memref_squeeze %dma_start3A_209 : memref<1x64xf32, #tpu.memory_space<vmem>> -> memref<64xf32, #tpu.memory_space<vmem>>
      %dma_start3A_211 = arith.constant 0 : i32
      %dma_start3A_212 = tpu.memref_slice %arg3[%squeeze3A_199, %dma_start3A_211] : memref<1000000x64xf32, #tpu.memory_space<hbm>> -> memref<1x64xf32, #tpu.memory_space<hbm>>
      %dma_start3A_213 = tpu.memref_squeeze %dma_start3A_212 : memref<1x64xf32, #tpu.memory_space<hbm>> -> memref<64xf32, #tpu.memory_space<hbm>>
      tpu.enqueue_dma source(%dma_start3A_213 : memref<64xf32, #tpu.memory_space<hbm>>) target(%dma_start3A_210 : memref<64xf32, #tpu.memory_space<vmem>>) target_semaphore(%arg8 : memref<!tpu.dma_semaphore, #tpu.memory_space<semaphore_mem>>)
      %slice3A_214 = vector.extract_strided_slice %get3A_135 {offsets = [5], sizes = [1], strides = [1]} : vector<16xi32> to vector<1xi32>
      %squeeze3A_215 = vector.extract %slice3A_214[0] : i32 from vector<1xi32>
      %add3A_216 = arith.constant 5 : i32
      %add3A_217 = arith.addi %add3A_133, %add3A_216 : i32
      %dma_start3A_218 = arith.constant 0 : i32
      %dma_start3A_219 = tpu.memref_slice %arg6[%add3A_217, %dma_start3A_218] : memref<512x64xf32, #tpu.memory_space<vmem>> -> memref<1x64xf32, #tpu.memory_space<vmem>>
      %dma_start3A_220 = tpu.memref_squeeze %dma_start3A_219 : memref<1x64xf32, #tpu.memory_space<vmem>> -> memref<64xf32, #tpu.memory_space<vmem>>
      %dma_start3A_221 = arith.constant 0 : i32
      %dma_start3A_222 = tpu.memref_slice %arg3[%squeeze3A_215, %dma_start3A_221] : memref<1000000x64xf32, #tpu.memory_space<hbm>> -> memref<1x64xf32, #tpu.memory_space<hbm>>
      %dma_start3A_223 = tpu.memref_squeeze %dma_start3A_222 : memref<1x64xf32, #tpu.memory_space<hbm>> -> memref<64xf32, #tpu.memory_space<hbm>>
      %dma_start3A_224 = arith.constant 0 : i32
      %dma_start3A_225 = tpu.memref_slice %arg6[%add3A_217, %dma_start3A_224] : memref<512x64xf32, #tpu.memory_space<vmem>> -> memref<1x64xf32, #tpu.memory_space<vmem>>
      %dma_start3A_226 = tpu.memref_squeeze %dma_start3A_225 : memref<1x64xf32, #tpu.memory_space<vmem>> -> memref<64xf32, #tpu.memory_space<vmem>>
      %dma_start3A_227 = arith.constant 0 : i32
      %dma_start3A_228 = tpu.memref_slice %arg3[%squeeze3A_215, %dma_start3A_227] : memref<1000000x64xf32, #tpu.memory_space<hbm>> -> memref<1x64xf32, #tpu.memory_space<hbm>>
      %dma_start3A_229 = tpu.memref_squeeze %dma_start3A_228 : memref<1x64xf32, #tpu.memory_space<hbm>> -> memref<64xf32, #tpu.memory_space<hbm>>
      tpu.enqueue_dma source(%dma_start3A_229 : memref<64xf32, #tpu.memory_space<hbm>>) target(%dma_start3A_226 : memref<64xf32, #tpu.memory_space<vmem>>) target_semaphore(%arg8 : memref<!tpu.dma_semaphore, #tpu.memory_space<semaphore_mem>>)
      %slice3A_230 = vector.extract_strided_slice %get3A_135 {offsets = [6], sizes = [1], strides = [1]} : vector<16xi32> to vector<1xi32>
      %squeeze3A_231 = vector.extract %slice3A_230[0] : i32 from vector<1xi32>
      %add3A_232 = arith.constant 6 : i32
      %add3A_233 = arith.addi %add3A_133, %add3A_232 : i32
      %dma_start3A_234 = arith.constant 0 : i32
      %dma_start3A_235 = tpu.memref_slice %arg6[%add3A_233, %dma_start3A_234] : memref<512x64xf32, #tpu.memory_space<vmem>> -> memref<1x64xf32, #tpu.memory_space<vmem>>
      %dma_start3A_236 = tpu.memref_squeeze %dma_start3A_235 : memref<1x64xf32, #tpu.memory_space<vmem>> -> memref<64xf32, #tpu.memory_space<vmem>>
      %dma_start3A_237 = arith.constant 0 : i32
      %dma_start3A_238 = tpu.memref_slice %arg3[%squeeze3A_231, %dma_start3A_237] : memref<1000000x64xf32, #tpu.memory_space<hbm>> -> memref<1x64xf32, #tpu.memory_space<hbm>>
      %dma_start3A_239 = tpu.memref_squeeze %dma_start3A_238 : memref<1x64xf32, #tpu.memory_space<hbm>> -> memref<64xf32, #tpu.memory_space<hbm>>
      %dma_start3A_240 = arith.constant 0 : i32
      %dma_start3A_241 = tpu.memref_slice %arg6[%add3A_233, %dma_start3A_240] : memref<512x64xf32, #tpu.memory_space<vmem>> -> memref<1x64xf32, #tpu.memory_space<vmem>>
      %dma_start3A_242 = tpu.memref_squeeze %dma_start3A_241 : memref<1x64xf32, #tpu.memory_space<vmem>> -> memref<64xf32, #tpu.memory_space<vmem>>
      %dma_start3A_243 = arith.constant 0 : i32
      %dma_start3A_244 = tpu.memref_slice %arg3[%squeeze3A_231, %dma_start3A_243] : memref<1000000x64xf32, #tpu.memory_space<hbm>> -> memref<1x64xf32, #tpu.memory_space<hbm>>
      %dma_start3A_245 = tpu.memref_squeeze %dma_start3A_244 : memref<1x64xf32, #tpu.memory_space<hbm>> -> memref<64xf32, #tpu.memory_space<hbm>>
      tpu.enqueue_dma source(%dma_start3A_245 : memref<64xf32, #tpu.memory_space<hbm>>) target(%dma_start3A_242 : memref<64xf32, #tpu.memory_space<vmem>>) target_semaphore(%arg8 : memref<!tpu.dma_semaphore, #tpu.memory_space<semaphore_mem>>)
      %slice3A_246 = vector.extract_strided_slice %get3A_135 {offsets = [7], sizes = [1], strides = [1]} : vector<16xi32> to vector<1xi32>
      %squeeze3A_247 = vector.extract %slice3A_246[0] : i32 from vector<1xi32>
      %add3A_248 = arith.constant 7 : i32
      %add3A_249 = arith.addi %add3A_133, %add3A_248 : i32
      %dma_start3A_250 = arith.constant 0 : i32
      %dma_start3A_251 = tpu.memref_slice %arg6[%add3A_249, %dma_start3A_250] : memref<512x64xf32, #tpu.memory_space<vmem>> -> memref<1x64xf32, #tpu.memory_space<vmem>>
      %dma_start3A_252 = tpu.memref_squeeze %dma_start3A_251 : memref<1x64xf32, #tpu.memory_space<vmem>> -> memref<64xf32, #tpu.memory_space<vmem>>
      %dma_start3A_253 = arith.constant 0 : i32
      %dma_start3A_254 = tpu.memref_slice %arg3[%squeeze3A_247, %dma_start3A_253] : memref<1000000x64xf32, #tpu.memory_space<hbm>> -> memref<1x64xf32, #tpu.memory_space<hbm>>
      %dma_start3A_255 = tpu.memref_squeeze %dma_start3A_254 : memref<1x64xf32, #tpu.memory_space<hbm>> -> memref<64xf32, #tpu.memory_space<hbm>>
      %dma_start3A_256 = arith.constant 0 : i32
      %dma_start3A_257 = tpu.memref_slice %arg6[%add3A_249, %dma_start3A_256] : memref<512x64xf32, #tpu.memory_space<vmem>> -> memref<1x64xf32, #tpu.memory_space<vmem>>
      %dma_start3A_258 = tpu.memref_squeeze %dma_start3A_257 : memref<1x64xf32, #tpu.memory_space<vmem>> -> memref<64xf32, #tpu.memory_space<vmem>>
      %dma_start3A_259 = arith.constant 0 : i32
      %dma_start3A_260 = tpu.memref_slice %arg3[%squeeze3A_247, %dma_start3A_259] : memref<1000000x64xf32, #tpu.memory_space<hbm>> -> memref<1x64xf32, #tpu.memory_space<hbm>>
      %dma_start3A_261 = tpu.memref_squeeze %dma_start3A_260 : memref<1x64xf32, #tpu.memory_space<hbm>> -> memref<64xf32, #tpu.memory_space<hbm>>
      tpu.enqueue_dma source(%dma_start3A_261 : memref<64xf32, #tpu.memory_space<hbm>>) target(%dma_start3A_258 : memref<64xf32, #tpu.memory_space<vmem>>) target_semaphore(%arg8 : memref<!tpu.dma_semaphore, #tpu.memory_space<semaphore_mem>>)
      %slice3A_262 = vector.extract_strided_slice %get3A_135 {offsets = [8], sizes = [1], strides = [1]} : vector<16xi32> to vector<1xi32>
      %squeeze3A_263 = vector.extract %slice3A_262[0] : i32 from vector<1xi32>
      %add3A_264 = arith.constant 8 : i32
      %add3A_265 = arith.addi %add3A_133, %add3A_264 : i32
      %dma_start3A_266 = arith.constant 0 : i32
      %dma_start3A_267 = tpu.memref_slice %arg6[%add3A_265, %dma_start3A_266] : memref<512x64xf32, #tpu.memory_space<vmem>> -> memref<1x64xf32, #tpu.memory_space<vmem>>
      %dma_start3A_268 = tpu.memref_squeeze %dma_start3A_267 : memref<1x64xf32, #tpu.memory_space<vmem>> -> memref<64xf32, #tpu.memory_space<vmem>>
      %dma_start3A_269 = arith.constant 0 : i32
      %dma_start3A_270 = tpu.memref_slice %arg3[%squeeze3A_263, %dma_start3A_269] : memref<1000000x64xf32, #tpu.memory_space<hbm>> -> memref<1x64xf32, #tpu.memory_space<hbm>>
      %dma_start3A_271 = tpu.memref_squeeze %dma_start3A_270 : memref<1x64xf32, #tpu.memory_space<hbm>> -> memref<64xf32, #tpu.memory_space<hbm>>
      %dma_start3A_272 = arith.constant 0 : i32
      %dma_start3A_273 = tpu.memref_slice %arg6[%add3A_265, %dma_start3A_272] : memref<512x64xf32, #tpu.memory_space<vmem>> -> memref<1x64xf32, #tpu.memory_space<vmem>>
      %dma_start3A_274 = tpu.memref_squeeze %dma_start3A_273 : memref<1x64xf32, #tpu.memory_space<vmem>> -> memref<64xf32, #tpu.memory_space<vmem>>
      %dma_start3A_275 = arith.constant 0 : i32
      %dma_start3A_276 = tpu.memref_slice %arg3[%squeeze3A_263, %dma_start3A_275] : memref<1000000x64xf32, #tpu.memory_space<hbm>> -> memref<1x64xf32, #tpu.memory_space<hbm>>
      %dma_start3A_277 = tpu.memref_squeeze %dma_start3A_276 : memref<1x64xf32, #tpu.memory_space<hbm>> -> memref<64xf32, #tpu.memory_space<hbm>>
      tpu.enqueue_dma source(%dma_start3A_277 : memref<64xf32, #tpu.memory_space<hbm>>) target(%dma_start3A_274 : memref<64xf32, #tpu.memory_space<vmem>>) target_semaphore(%arg8 : memref<!tpu.dma_semaphore, #tpu.memory_space<semaphore_mem>>)
      %slice3A_278 = vector.extract_strided_slice %get3A_135 {offsets = [9], sizes = [1], strides = [1]} : vector<16xi32> to vector<1xi32>
      %squeeze3A_279 = vector.extract %slice3A_278[0] : i32 from vector<1xi32>
      %add3A_280 = arith.constant 9 : i32
      %add3A_281 = arith.addi %add3A_133, %add3A_280 : i32
      %dma_start3A_282 = arith.constant 0 : i32
      %dma_start3A_283 = tpu.memref_slice %arg6[%add3A_281, %dma_start3A_282] : memref<512x64xf32, #tpu.memory_space<vmem>> -> memref<1x64xf32, #tpu.memory_space<vmem>>
      %dma_start3A_284 = tpu.memref_squeeze %dma_start3A_283 : memref<1x64xf32, #tpu.memory_space<vmem>> -> memref<64xf32, #tpu.memory_space<vmem>>
      %dma_start3A_285 = arith.constant 0 : i32
      %dma_start3A_286 = tpu.memref_slice %arg3[%squeeze3A_279, %dma_start3A_285] : memref<1000000x64xf32, #tpu.memory_space<hbm>> -> memref<1x64xf32, #tpu.memory_space<hbm>>
      %dma_start3A_287 = tpu.memref_squeeze %dma_start3A_286 : memref<1x64xf32, #tpu.memory_space<hbm>> -> memref<64xf32, #tpu.memory_space<hbm>>
      %dma_start3A_288 = arith.constant 0 : i32
      %dma_start3A_289 = tpu.memref_slice %arg6[%add3A_281, %dma_start3A_288] : memref<512x64xf32, #tpu.memory_space<vmem>> -> memref<1x64xf32, #tpu.memory_space<vmem>>
      %dma_start3A_290 = tpu.memref_squeeze %dma_start3A_289 : memref<1x64xf32, #tpu.memory_space<vmem>> -> memref<64xf32, #tpu.memory_space<vmem>>
      %dma_start3A_291 = arith.constant 0 : i32
      %dma_start3A_292 = tpu.memref_slice %arg3[%squeeze3A_279, %dma_start3A_291] : memref<1000000x64xf32, #tpu.memory_space<hbm>> -> memref<1x64xf32, #tpu.memory_space<hbm>>
      %dma_start3A_293 = tpu.memref_squeeze %dma_start3A_292 : memref<1x64xf32, #tpu.memory_space<hbm>> -> memref<64xf32, #tpu.memory_space<hbm>>
      tpu.enqueue_dma source(%dma_start3A_293 : memref<64xf32, #tpu.memory_space<hbm>>) target(%dma_start3A_290 : memref<64xf32, #tpu.memory_space<vmem>>) target_semaphore(%arg8 : memref<!tpu.dma_semaphore, #tpu.memory_space<semaphore_mem>>)
      %slice3A_294 = vector.extract_strided_slice %get3A_135 {offsets = [10], sizes = [1], strides = [1]} : vector<16xi32> to vector<1xi32>
      %squeeze3A_295 = vector.extract %slice3A_294[0] : i32 from vector<1xi32>
      %add3A_296 = arith.constant 10 : i32
      %add3A_297 = arith.addi %add3A_133, %add3A_296 : i32
      %dma_start3A_298 = arith.constant 0 : i32
      %dma_start3A_299 = tpu.memref_slice %arg6[%add3A_297, %dma_start3A_298] : memref<512x64xf32, #tpu.memory_space<vmem>> -> memref<1x64xf32, #tpu.memory_space<vmem>>
      %dma_start3A_300 = tpu.memref_squeeze %dma_start3A_299 : memref<1x64xf32, #tpu.memory_space<vmem>> -> memref<64xf32, #tpu.memory_space<vmem>>
      %dma_start3A_301 = arith.constant 0 : i32
      %dma_start3A_302 = tpu.memref_slice %arg3[%squeeze3A_295, %dma_start3A_301] : memref<1000000x64xf32, #tpu.memory_space<hbm>> -> memref<1x64xf32, #tpu.memory_space<hbm>>
      %dma_start3A_303 = tpu.memref_squeeze %dma_start3A_302 : memref<1x64xf32, #tpu.memory_space<hbm>> -> memref<64xf32, #tpu.memory_space<hbm>>
      %dma_start3A_304 = arith.constant 0 : i32
      %dma_start3A_305 = tpu.memref_slice %arg6[%add3A_297, %dma_start3A_304] : memref<512x64xf32, #tpu.memory_space<vmem>> -> memref<1x64xf32, #tpu.memory_space<vmem>>
      %dma_start3A_306 = tpu.memref_squeeze %dma_start3A_305 : memref<1x64xf32, #tpu.memory_space<vmem>> -> memref<64xf32, #tpu.memory_space<vmem>>
      %dma_start3A_307 = arith.constant 0 : i32
      %dma_start3A_308 = tpu.memref_slice %arg3[%squeeze3A_295, %dma_start3A_307] : memref<1000000x64xf32, #tpu.memory_space<hbm>> -> memref<1x64xf32, #tpu.memory_space<hbm>>
      %dma_start3A_309 = tpu.memref_squeeze %dma_start3A_308 : memref<1x64xf32, #tpu.memory_space<hbm>> -> memref<64xf32, #tpu.memory_space<hbm>>
      tpu.enqueue_dma source(%dma_start3A_309 : memref<64xf32, #tpu.memory_space<hbm>>) target(%dma_start3A_306 : memref<64xf32, #tpu.memory_space<vmem>>) target_semaphore(%arg8 : memref<!tpu.dma_semaphore, #tpu.memory_space<semaphore_mem>>)
      %slice3A_310 = vector.extract_strided_slice %get3A_135 {offsets = [11], sizes = [1], strides = [1]} : vector<16xi32> to vector<1xi32>
      %squeeze3A_311 = vector.extract %slice3A_310[0] : i32 from vector<1xi32>
      %add3A_312 = arith.constant 11 : i32
      %add3A_313 = arith.addi %add3A_133, %add3A_312 : i32
      %dma_start3A_314 = arith.constant 0 : i32
      %dma_start3A_315 = tpu.memref_slice %arg6[%add3A_313, %dma_start3A_314] : memref<512x64xf32, #tpu.memory_space<vmem>> -> memref<1x64xf32, #tpu.memory_space<vmem>>
      %dma_start3A_316 = tpu.memref_squeeze %dma_start3A_315 : memref<1x64xf32, #tpu.memory_space<vmem>> -> memref<64xf32, #tpu.memory_space<vmem>>
      %dma_start3A_317 = arith.constant 0 : i32
      %dma_start3A_318 = tpu.memref_slice %arg3[%squeeze3A_311, %dma_start3A_317] : memref<1000000x64xf32, #tpu.memory_space<hbm>> -> memref<1x64xf32, #tpu.memory_space<hbm>>
      %dma_start3A_319 = tpu.memref_squeeze %dma_start3A_318 : memref<1x64xf32, #tpu.memory_space<hbm>> -> memref<64xf32, #tpu.memory_space<hbm>>
      %dma_start3A_320 = arith.constant 0 : i32
      %dma_start3A_321 = tpu.memref_slice %arg6[%add3A_313, %dma_start3A_320] : memref<512x64xf32, #tpu.memory_space<vmem>> -> memref<1x64xf32, #tpu.memory_space<vmem>>
      %dma_start3A_322 = tpu.memref_squeeze %dma_start3A_321 : memref<1x64xf32, #tpu.memory_space<vmem>> -> memref<64xf32, #tpu.memory_space<vmem>>
      %dma_start3A_323 = arith.constant 0 : i32
      %dma_start3A_324 = tpu.memref_slice %arg3[%squeeze3A_311, %dma_start3A_323] : memref<1000000x64xf32, #tpu.memory_space<hbm>> -> memref<1x64xf32, #tpu.memory_space<hbm>>
      %dma_start3A_325 = tpu.memref_squeeze %dma_start3A_324 : memref<1x64xf32, #tpu.memory_space<hbm>> -> memref<64xf32, #tpu.memory_space<hbm>>
      tpu.enqueue_dma source(%dma_start3A_325 : memref<64xf32, #tpu.memory_space<hbm>>) target(%dma_start3A_322 : memref<64xf32, #tpu.memory_space<vmem>>) target_semaphore(%arg8 : memref<!tpu.dma_semaphore, #tpu.memory_space<semaphore_mem>>)
      %slice3A_326 = vector.extract_strided_slice %get3A_135 {offsets = [12], sizes = [1], strides = [1]} : vector<16xi32> to vector<1xi32>
      %squeeze3A_327 = vector.extract %slice3A_326[0] : i32 from vector<1xi32>
      %add3A_328 = arith.constant 12 : i32
      %add3A_329 = arith.addi %add3A_133, %add3A_328 : i32
      %dma_start3A_330 = arith.constant 0 : i32
      %dma_start3A_331 = tpu.memref_slice %arg6[%add3A_329, %dma_start3A_330] : memref<512x64xf32, #tpu.memory_space<vmem>> -> memref<1x64xf32, #tpu.memory_space<vmem>>
      %dma_start3A_332 = tpu.memref_squeeze %dma_start3A_331 : memref<1x64xf32, #tpu.memory_space<vmem>> -> memref<64xf32, #tpu.memory_space<vmem>>
      %dma_start3A_333 = arith.constant 0 : i32
      %dma_start3A_334 = tpu.memref_slice %arg3[%squeeze3A_327, %dma_start3A_333] : memref<1000000x64xf32, #tpu.memory_space<hbm>> -> memref<1x64xf32, #tpu.memory_space<hbm>>
      %dma_start3A_335 = tpu.memref_squeeze %dma_start3A_334 : memref<1x64xf32, #tpu.memory_space<hbm>> -> memref<64xf32, #tpu.memory_space<hbm>>
      %dma_start3A_336 = arith.constant 0 : i32
      %dma_start3A_337 = tpu.memref_slice %arg6[%add3A_329, %dma_start3A_336] : memref<512x64xf32, #tpu.memory_space<vmem>> -> memref<1x64xf32, #tpu.memory_space<vmem>>
      %dma_start3A_338 = tpu.memref_squeeze %dma_start3A_337 : memref<1x64xf32, #tpu.memory_space<vmem>> -> memref<64xf32, #tpu.memory_space<vmem>>
      %dma_start3A_339 = arith.constant 0 : i32
      %dma_start3A_340 = tpu.memref_slice %arg3[%squeeze3A_327, %dma_start3A_339] : memref<1000000x64xf32, #tpu.memory_space<hbm>> -> memref<1x64xf32, #tpu.memory_space<hbm>>
      %dma_start3A_341 = tpu.memref_squeeze %dma_start3A_340 : memref<1x64xf32, #tpu.memory_space<hbm>> -> memref<64xf32, #tpu.memory_space<hbm>>
      tpu.enqueue_dma source(%dma_start3A_341 : memref<64xf32, #tpu.memory_space<hbm>>) target(%dma_start3A_338 : memref<64xf32, #tpu.memory_space<vmem>>) target_semaphore(%arg8 : memref<!tpu.dma_semaphore, #tpu.memory_space<semaphore_mem>>)
      %slice3A_342 = vector.extract_strided_slice %get3A_135 {offsets = [13], sizes = [1], strides = [1]} : vector<16xi32> to vector<1xi32>
      %squeeze3A_343 = vector.extract %slice3A_342[0] : i32 from vector<1xi32>
      %add3A_344 = arith.constant 13 : i32
      %add3A_345 = arith.addi %add3A_133, %add3A_344 : i32
      %dma_start3A_346 = arith.constant 0 : i32
      %dma_start3A_347 = tpu.memref_slice %arg6[%add3A_345, %dma_start3A_346] : memref<512x64xf32, #tpu.memory_space<vmem>> -> memref<1x64xf32, #tpu.memory_space<vmem>>
      %dma_start3A_348 = tpu.memref_squeeze %dma_start3A_347 : memref<1x64xf32, #tpu.memory_space<vmem>> -> memref<64xf32, #tpu.memory_space<vmem>>
      %dma_start3A_349 = arith.constant 0 : i32
      %dma_start3A_350 = tpu.memref_slice %arg3[%squeeze3A_343, %dma_start3A_349] : memref<1000000x64xf32, #tpu.memory_space<hbm>> -> memref<1x64xf32, #tpu.memory_space<hbm>>
      %dma_start3A_351 = tpu.memref_squeeze %dma_start3A_350 : memref<1x64xf32, #tpu.memory_space<hbm>> -> memref<64xf32, #tpu.memory_space<hbm>>
      %dma_start3A_352 = arith.constant 0 : i32
      %dma_start3A_353 = tpu.memref_slice %arg6[%add3A_345, %dma_start3A_352] : memref<512x64xf32, #tpu.memory_space<vmem>> -> memref<1x64xf32, #tpu.memory_space<vmem>>
      %dma_start3A_354 = tpu.memref_squeeze %dma_start3A_353 : memref<1x64xf32, #tpu.memory_space<vmem>> -> memref<64xf32, #tpu.memory_space<vmem>>
      %dma_start3A_355 = arith.constant 0 : i32
      %dma_start3A_356 = tpu.memref_slice %arg3[%squeeze3A_343, %dma_start3A_355] : memref<1000000x64xf32, #tpu.memory_space<hbm>> -> memref<1x64xf32, #tpu.memory_space<hbm>>
      %dma_start3A_357 = tpu.memref_squeeze %dma_start3A_356 : memref<1x64xf32, #tpu.memory_space<hbm>> -> memref<64xf32, #tpu.memory_space<hbm>>
      tpu.enqueue_dma source(%dma_start3A_357 : memref<64xf32, #tpu.memory_space<hbm>>) target(%dma_start3A_354 : memref<64xf32, #tpu.memory_space<vmem>>) target_semaphore(%arg8 : memref<!tpu.dma_semaphore, #tpu.memory_space<semaphore_mem>>)
      %slice3A_358 = vector.extract_strided_slice %get3A_135 {offsets = [14], sizes = [1], strides = [1]} : vector<16xi32> to vector<1xi32>
      %squeeze3A_359 = vector.extract %slice3A_358[0] : i32 from vector<1xi32>
      %add3A_360 = arith.constant 14 : i32
      %add3A_361 = arith.addi %add3A_133, %add3A_360 : i32
      %dma_start3A_362 = arith.constant 0 : i32
      %dma_start3A_363 = tpu.memref_slice %arg6[%add3A_361, %dma_start3A_362] : memref<512x64xf32, #tpu.memory_space<vmem>> -> memref<1x64xf32, #tpu.memory_space<vmem>>
      %dma_start3A_364 = tpu.memref_squeeze %dma_start3A_363 : memref<1x64xf32, #tpu.memory_space<vmem>> -> memref<64xf32, #tpu.memory_space<vmem>>
      %dma_start3A_365 = arith.constant 0 : i32
      %dma_start3A_366 = tpu.memref_slice %arg3[%squeeze3A_359, %dma_start3A_365] : memref<1000000x64xf32, #tpu.memory_space<hbm>> -> memref<1x64xf32, #tpu.memory_space<hbm>>
      %dma_start3A_367 = tpu.memref_squeeze %dma_start3A_366 : memref<1x64xf32, #tpu.memory_space<hbm>> -> memref<64xf32, #tpu.memory_space<hbm>>
      %dma_start3A_368 = arith.constant 0 : i32
      %dma_start3A_369 = tpu.memref_slice %arg6[%add3A_361, %dma_start3A_368] : memref<512x64xf32, #tpu.memory_space<vmem>> -> memref<1x64xf32, #tpu.memory_space<vmem>>
      %dma_start3A_370 = tpu.memref_squeeze %dma_start3A_369 : memref<1x64xf32, #tpu.memory_space<vmem>> -> memref<64xf32, #tpu.memory_space<vmem>>
      %dma_start3A_371 = arith.constant 0 : i32
      %dma_start3A_372 = tpu.memref_slice %arg3[%squeeze3A_359, %dma_start3A_371] : memref<1000000x64xf32, #tpu.memory_space<hbm>> -> memref<1x64xf32, #tpu.memory_space<hbm>>
      %dma_start3A_373 = tpu.memref_squeeze %dma_start3A_372 : memref<1x64xf32, #tpu.memory_space<hbm>> -> memref<64xf32, #tpu.memory_space<hbm>>
      tpu.enqueue_dma source(%dma_start3A_373 : memref<64xf32, #tpu.memory_space<hbm>>) target(%dma_start3A_370 : memref<64xf32, #tpu.memory_space<vmem>>) target_semaphore(%arg8 : memref<!tpu.dma_semaphore, #tpu.memory_space<semaphore_mem>>)
      %slice3A_374 = vector.extract_strided_slice %get3A_135 {offsets = [15], sizes = [1], strides = [1]} : vector<16xi32> to vector<1xi32>
      %squeeze3A_375 = vector.extract %slice3A_374[0] : i32 from vector<1xi32>
      %add3A_376 = arith.constant 15 : i32
      %add3A_377 = arith.addi %add3A_133, %add3A_376 : i32
      %dma_start3A_378 = arith.constant 0 : i32
      %dma_start3A_379 = tpu.memref_slice %arg6[%add3A_377, %dma_start3A_378] : memref<512x64xf32, #tpu.memory_space<vmem>> -> memref<1x64xf32, #tpu.memory_space<vmem>>
      %dma_start3A_380 = tpu.memref_squeeze %dma_start3A_379 : memref<1x64xf32, #tpu.memory_space<vmem>> -> memref<64xf32, #tpu.memory_space<vmem>>
      %dma_start3A_381 = arith.constant 0 : i32
      %dma_start3A_382 = tpu.memref_slice %arg3[%squeeze3A_375, %dma_start3A_381] : memref<1000000x64xf32, #tpu.memory_space<hbm>> -> memref<1x64xf32, #tpu.memory_space<hbm>>
      %dma_start3A_383 = tpu.memref_squeeze %dma_start3A_382 : memref<1x64xf32, #tpu.memory_space<hbm>> -> memref<64xf32, #tpu.memory_space<hbm>>
      %dma_start3A_384 = arith.constant 0 : i32
      %dma_start3A_385 = tpu.memref_slice %arg6[%add3A_377, %dma_start3A_384] : memref<512x64xf32, #tpu.memory_space<vmem>> -> memref<1x64xf32, #tpu.memory_space<vmem>>
      %dma_start3A_386 = tpu.memref_squeeze %dma_start3A_385 : memref<1x64xf32, #tpu.memory_space<vmem>> -> memref<64xf32, #tpu.memory_space<vmem>>
      %dma_start3A_387 = arith.constant 0 : i32
      %dma_start3A_388 = tpu.memref_slice %arg3[%squeeze3A_375, %dma_start3A_387] : memref<1000000x64xf32, #tpu.memory_space<hbm>> -> memref<1x64xf32, #tpu.memory_space<hbm>>
      %dma_start3A_389 = tpu.memref_squeeze %dma_start3A_388 : memref<1x64xf32, #tpu.memory_space<hbm>> -> memref<64xf32, #tpu.memory_space<hbm>>
      tpu.enqueue_dma source(%dma_start3A_389 : memref<64xf32, #tpu.memory_space<hbm>>) target(%dma_start3A_386 : memref<64xf32, #tpu.memory_space<vmem>>) target_semaphore(%arg8 : memref<!tpu.dma_semaphore, #tpu.memory_space<semaphore_mem>>)
      %scan3A_390 = arith.constant 0 : i32
      scf.yield %scan3A_390 : i32
    }
    %scan3A_15 = arith.constant 8 : i32
    %scan3A_16 = arith.constant 0 : i32
    %scan3A_17 = arith.constant 0 : i32
    %scan3A_18 = arith.constant 8 : i32
    %scan3A_19 = arith.addi %scan3A_17, %scan3A_18 : i32
    %scan3A_20 = arith.constant 1 : i32
    %scan3A_21 = scf.for %scan3A_128 = %scan3A_17 to %scan3A_19 step %scan3A_20 iter_args(%scan3A_129 = %scan3A_16) -> (i32)  : i32 {
      %mul3A_130 = arith.constant 16 : i32
      %mul3A_131 = arith.muli %scan3A_128, %mul3A_130 : i32
      %add3A_132 = arith.constant 256 : i32
      %add3A_133 = arith.addi %add3A_132, %mul3A_131 : i32
      %get3A = arith.index_cast %add3A_133 : i32 to index
      %get3A_134 = tpu.vector_load %arg5[%get3A] {strides = array<i32>} : memref<512xi32, #tpu.memory_space<vmem>>, vector<16xi32>,
      %get3A_135 = vector.shape_cast %get3A_134 : vector<16xi32> to vector<16xi32>
      %slice3A = vector.extract_strided_slice %get3A_135 {offsets = [0], sizes = [1], strides = [1]} : vector<16xi32> to vector<1xi32>
      %squeeze3A = vector.extract %slice3A[0] : i32 from vector<1xi32>
      %add3A_136 = arith.constant 0 : i32
      %add3A_137 = arith.addi %add3A_133, %add3A_136 : i32
      %dma_start3A_138 = arith.constant 0 : i32
      %dma_start3A_139 = tpu.memref_slice %arg6[%add3A_137, %dma_start3A_138] : memref<512x64xf32, #tpu.memory_space<vmem>> -> memref<1x64xf32, #tpu.memory_space<vmem>>
      %dma_start3A_140 = tpu.memref_squeeze %dma_start3A_139 : memref<1x64xf32, #tpu.memory_space<vmem>> -> memref<64xf32, #tpu.memory_space<vmem>>
      %dma_start3A_141 = arith.constant 0 : i32
      %dma_start3A_142 = tpu.memref_slice %arg3[%squeeze3A, %dma_start3A_141] : memref<1000000x64xf32, #tpu.memory_space<hbm>> -> memref<1x64xf32, #tpu.memory_space<hbm>>
      %dma_start3A_143 = tpu.memref_squeeze %dma_start3A_142 : memref<1x64xf32, #tpu.memory_space<hbm>> -> memref<64xf32, #tpu.memory_space<hbm>>
      %dma_start3A_144 = arith.constant 0 : i32
      %dma_start3A_145 = tpu.memref_slice %arg6[%add3A_137, %dma_start3A_144] : memref<512x64xf32, #tpu.memory_space<vmem>> -> memref<1x64xf32, #tpu.memory_space<vmem>>
      %dma_start3A_146 = tpu.memref_squeeze %dma_start3A_145 : memref<1x64xf32, #tpu.memory_space<vmem>> -> memref<64xf32, #tpu.memory_space<vmem>>
      %dma_start3A_147 = arith.constant 0 : i32
      %dma_start3A_148 = tpu.memref_slice %arg3[%squeeze3A, %dma_start3A_147] : memref<1000000x64xf32, #tpu.memory_space<hbm>> -> memref<1x64xf32, #tpu.memory_space<hbm>>
      %dma_start3A_149 = tpu.memref_squeeze %dma_start3A_148 : memref<1x64xf32, #tpu.memory_space<hbm>> -> memref<64xf32, #tpu.memory_space<hbm>>
      tpu.enqueue_dma source(%dma_start3A_149 : memref<64xf32, #tpu.memory_space<hbm>>) target(%dma_start3A_146 : memref<64xf32, #tpu.memory_space<vmem>>) target_semaphore(%arg9 : memref<!tpu.dma_semaphore, #tpu.memory_space<semaphore_mem>>)
      %slice3A_150 = vector.extract_strided_slice %get3A_135 {offsets = [1], sizes = [1], strides = [1]} : vector<16xi32> to vector<1xi32>
      %squeeze3A_151 = vector.extract %slice3A_150[0] : i32 from vector<1xi32>
      %add3A_152 = arith.constant 1 : i32
      %add3A_153 = arith.addi %add3A_133, %add3A_152 : i32
      %dma_start3A_154 = arith.constant 0 : i32
      %dma_start3A_155 = tpu.memref_slice %arg6[%add3A_153, %dma_start3A_154] : memref<512x64xf32, #tpu.memory_space<vmem>> -> memref<1x64xf32, #tpu.memory_space<vmem>>
      %dma_start3A_156 = tpu.memref_squeeze %dma_start3A_155 : memref<1x64xf32, #tpu.memory_space<vmem>> -> memref<64xf32, #tpu.memory_space<vmem>>
      %dma_start3A_157 = arith.constant 0 : i32
      %dma_start3A_158 = tpu.memref_slice %arg3[%squeeze3A_151, %dma_start3A_157] : memref<1000000x64xf32, #tpu.memory_space<hbm>> -> memref<1x64xf32, #tpu.memory_space<hbm>>
      %dma_start3A_159 = tpu.memref_squeeze %dma_start3A_158 : memref<1x64xf32, #tpu.memory_space<hbm>> -> memref<64xf32, #tpu.memory_space<hbm>>
      %dma_start3A_160 = arith.constant 0 : i32
      %dma_start3A_161 = tpu.memref_slice %arg6[%add3A_153, %dma_start3A_160] : memref<512x64xf32, #tpu.memory_space<vmem>> -> memref<1x64xf32, #tpu.memory_space<vmem>>
      %dma_start3A_162 = tpu.memref_squeeze %dma_start3A_161 : memref<1x64xf32, #tpu.memory_space<vmem>> -> memref<64xf32, #tpu.memory_space<vmem>>
      %dma_start3A_163 = arith.constant 0 : i32
      %dma_start3A_164 = tpu.memref_slice %arg3[%squeeze3A_151, %dma_start3A_163] : memref<1000000x64xf32, #tpu.memory_space<hbm>> -> memref<1x64xf32, #tpu.memory_space<hbm>>
      %dma_start3A_165 = tpu.memref_squeeze %dma_start3A_164 : memref<1x64xf32, #tpu.memory_space<hbm>> -> memref<64xf32, #tpu.memory_space<hbm>>
      tpu.enqueue_dma source(%dma_start3A_165 : memref<64xf32, #tpu.memory_space<hbm>>) target(%dma_start3A_162 : memref<64xf32, #tpu.memory_space<vmem>>) target_semaphore(%arg9 : memref<!tpu.dma_semaphore, #tpu.memory_space<semaphore_mem>>)
      %slice3A_166 = vector.extract_strided_slice %get3A_135 {offsets = [2], sizes = [1], strides = [1]} : vector<16xi32> to vector<1xi32>
      %squeeze3A_167 = vector.extract %slice3A_166[0] : i32 from vector<1xi32>
      %add3A_168 = arith.constant 2 : i32
      %add3A_169 = arith.addi %add3A_133, %add3A_168 : i32
      %dma_start3A_170 = arith.constant 0 : i32
      %dma_start3A_171 = tpu.memref_slice %arg6[%add3A_169, %dma_start3A_170] : memref<512x64xf32, #tpu.memory_space<vmem>> -> memref<1x64xf32, #tpu.memory_space<vmem>>
      %dma_start3A_172 = tpu.memref_squeeze %dma_start3A_171 : memref<1x64xf32, #tpu.memory_space<vmem>> -> memref<64xf32, #tpu.memory_space<vmem>>
      %dma_start3A_173 = arith.constant 0 : i32
      %dma_start3A_174 = tpu.memref_slice %arg3[%squeeze3A_167, %dma_start3A_173] : memref<1000000x64xf32, #tpu.memory_space<hbm>> -> memref<1x64xf32, #tpu.memory_space<hbm>>
      %dma_start3A_175 = tpu.memref_squeeze %dma_start3A_174 : memref<1x64xf32, #tpu.memory_space<hbm>> -> memref<64xf32, #tpu.memory_space<hbm>>
      %dma_start3A_176 = arith.constant 0 : i32
      %dma_start3A_177 = tpu.memref_slice %arg6[%add3A_169, %dma_start3A_176] : memref<512x64xf32, #tpu.memory_space<vmem>> -> memref<1x64xf32, #tpu.memory_space<vmem>>
      %dma_start3A_178 = tpu.memref_squeeze %dma_start3A_177 : memref<1x64xf32, #tpu.memory_space<vmem>> -> memref<64xf32, #tpu.memory_space<vmem>>
      %dma_start3A_179 = arith.constant 0 : i32
      %dma_start3A_180 = tpu.memref_slice %arg3[%squeeze3A_167, %dma_start3A_179] : memref<1000000x64xf32, #tpu.memory_space<hbm>> -> memref<1x64xf32, #tpu.memory_space<hbm>>
      %dma_start3A_181 = tpu.memref_squeeze %dma_start3A_180 : memref<1x64xf32, #tpu.memory_space<hbm>> -> memref<64xf32, #tpu.memory_space<hbm>>
      tpu.enqueue_dma source(%dma_start3A_181 : memref<64xf32, #tpu.memory_space<hbm>>) target(%dma_start3A_178 : memref<64xf32, #tpu.memory_space<vmem>>) target_semaphore(%arg9 : memref<!tpu.dma_semaphore, #tpu.memory_space<semaphore_mem>>)
      %slice3A_182 = vector.extract_strided_slice %get3A_135 {offsets = [3], sizes = [1], strides = [1]} : vector<16xi32> to vector<1xi32>
      %squeeze3A_183 = vector.extract %slice3A_182[0] : i32 from vector<1xi32>
      %add3A_184 = arith.constant 3 : i32
      %add3A_185 = arith.addi %add3A_133, %add3A_184 : i32
      %dma_start3A_186 = arith.constant 0 : i32
      %dma_start3A_187 = tpu.memref_slice %arg6[%add3A_185, %dma_start3A_186] : memref<512x64xf32, #tpu.memory_space<vmem>> -> memref<1x64xf32, #tpu.memory_space<vmem>>
      %dma_start3A_188 = tpu.memref_squeeze %dma_start3A_187 : memref<1x64xf32, #tpu.memory_space<vmem>> -> memref<64xf32, #tpu.memory_space<vmem>>
      %dma_start3A_189 = arith.constant 0 : i32
      %dma_start3A_190 = tpu.memref_slice %arg3[%squeeze3A_183, %dma_start3A_189] : memref<1000000x64xf32, #tpu.memory_space<hbm>> -> memref<1x64xf32, #tpu.memory_space<hbm>>
      %dma_start3A_191 = tpu.memref_squeeze %dma_start3A_190 : memref<1x64xf32, #tpu.memory_space<hbm>> -> memref<64xf32, #tpu.memory_space<hbm>>
      %dma_start3A_192 = arith.constant 0 : i32
      %dma_start3A_193 = tpu.memref_slice %arg6[%add3A_185, %dma_start3A_192] : memref<512x64xf32, #tpu.memory_space<vmem>> -> memref<1x64xf32, #tpu.memory_space<vmem>>
      %dma_start3A_194 = tpu.memref_squeeze %dma_start3A_193 : memref<1x64xf32, #tpu.memory_space<vmem>> -> memref<64xf32, #tpu.memory_space<vmem>>
      %dma_start3A_195 = arith.constant 0 : i32
      %dma_start3A_196 = tpu.memref_slice %arg3[%squeeze3A_183, %dma_start3A_195] : memref<1000000x64xf32, #tpu.memory_space<hbm>> -> memref<1x64xf32, #tpu.memory_space<hbm>>
      %dma_start3A_197 = tpu.memref_squeeze %dma_start3A_196 : memref<1x64xf32, #tpu.memory_space<hbm>> -> memref<64xf32, #tpu.memory_space<hbm>>
      tpu.enqueue_dma source(%dma_start3A_197 : memref<64xf32, #tpu.memory_space<hbm>>) target(%dma_start3A_194 : memref<64xf32, #tpu.memory_space<vmem>>) target_semaphore(%arg9 : memref<!tpu.dma_semaphore, #tpu.memory_space<semaphore_mem>>)
      %slice3A_198 = vector.extract_strided_slice %get3A_135 {offsets = [4], sizes = [1], strides = [1]} : vector<16xi32> to vector<1xi32>
      %squeeze3A_199 = vector.extract %slice3A_198[0] : i32 from vector<1xi32>
      %add3A_200 = arith.constant 4 : i32
      %add3A_201 = arith.addi %add3A_133, %add3A_200 : i32
      %dma_start3A_202 = arith.constant 0 : i32
      %dma_start3A_203 = tpu.memref_slice %arg6[%add3A_201, %dma_start3A_202] : memref<512x64xf32, #tpu.memory_space<vmem>> -> memref<1x64xf32, #tpu.memory_space<vmem>>
      %dma_start3A_204 = tpu.memref_squeeze %dma_start3A_203 : memref<1x64xf32, #tpu.memory_space<vmem>> -> memref<64xf32, #tpu.memory_space<vmem>>
      %dma_start3A_205 = arith.constant 0 : i32
      %dma_start3A_206 = tpu.memref_slice %arg3[%squeeze3A_199, %dma_start3A_205] : memref<1000000x64xf32, #tpu.memory_space<hbm>> -> memref<1x64xf32, #tpu.memory_space<hbm>>
      %dma_start3A_207 = tpu.memref_squeeze %dma_start3A_206 : memref<1x64xf32, #tpu.memory_space<hbm>> -> memref<64xf32, #tpu.memory_space<hbm>>
      %dma_start3A_208 = arith.constant 0 : i32
      %dma_start3A_209 = tpu.memref_slice %arg6[%add3A_201, %dma_start3A_208] : memref<512x64xf32, #tpu.memory_space<vmem>> -> memref<1x64xf32, #tpu.memory_space<vmem>>
      %dma_start3A_210 = tpu.memref_squeeze %dma_start3A_209 : memref<1x64xf32, #tpu.memory_space<vmem>> -> memref<64xf32, #tpu.memory_space<vmem>>
      %dma_start3A_211 = arith.constant 0 : i32
      %dma_start3A_212 = tpu.memref_slice %arg3[%squeeze3A_199, %dma_start3A_211] : memref<1000000x64xf32, #tpu.memory_space<hbm>> -> memref<1x64xf32, #tpu.memory_space<hbm>>
      %dma_start3A_213 = tpu.memref_squeeze %dma_start3A_212 : memref<1x64xf32, #tpu.memory_space<hbm>> -> memref<64xf32, #tpu.memory_space<hbm>>
      tpu.enqueue_dma source(%dma_start3A_213 : memref<64xf32, #tpu.memory_space<hbm>>) target(%dma_start3A_210 : memref<64xf32, #tpu.memory_space<vmem>>) target_semaphore(%arg9 : memref<!tpu.dma_semaphore, #tpu.memory_space<semaphore_mem>>)
      %slice3A_214 = vector.extract_strided_slice %get3A_135 {offsets = [5], sizes = [1], strides = [1]} : vector<16xi32> to vector<1xi32>
      %squeeze3A_215 = vector.extract %slice3A_214[0] : i32 from vector<1xi32>
      %add3A_216 = arith.constant 5 : i32
      %add3A_217 = arith.addi %add3A_133, %add3A_216 : i32
      %dma_start3A_218 = arith.constant 0 : i32
      %dma_start3A_219 = tpu.memref_slice %arg6[%add3A_217, %dma_start3A_218] : memref<512x64xf32, #tpu.memory_space<vmem>> -> memref<1x64xf32, #tpu.memory_space<vmem>>
      %dma_start3A_220 = tpu.memref_squeeze %dma_start3A_219 : memref<1x64xf32, #tpu.memory_space<vmem>> -> memref<64xf32, #tpu.memory_space<vmem>>
      %dma_start3A_221 = arith.constant 0 : i32
      %dma_start3A_222 = tpu.memref_slice %arg3[%squeeze3A_215, %dma_start3A_221] : memref<1000000x64xf32, #tpu.memory_space<hbm>> -> memref<1x64xf32, #tpu.memory_space<hbm>>
      %dma_start3A_223 = tpu.memref_squeeze %dma_start3A_222 : memref<1x64xf32, #tpu.memory_space<hbm>> -> memref<64xf32, #tpu.memory_space<hbm>>
      %dma_start3A_224 = arith.constant 0 : i32
      %dma_start3A_225 = tpu.memref_slice %arg6[%add3A_217, %dma_start3A_224] : memref<512x64xf32, #tpu.memory_space<vmem>> -> memref<1x64xf32, #tpu.memory_space<vmem>>
      %dma_start3A_226 = tpu.memref_squeeze %dma_start3A_225 : memref<1x64xf32, #tpu.memory_space<vmem>> -> memref<64xf32, #tpu.memory_space<vmem>>
      %dma_start3A_227 = arith.constant 0 : i32
      %dma_start3A_228 = tpu.memref_slice %arg3[%squeeze3A_215, %dma_start3A_227] : memref<1000000x64xf32, #tpu.memory_space<hbm>> -> memref<1x64xf32, #tpu.memory_space<hbm>>
      %dma_start3A_229 = tpu.memref_squeeze %dma_start3A_228 : memref<1x64xf32, #tpu.memory_space<hbm>> -> memref<64xf32, #tpu.memory_space<hbm>>
      tpu.enqueue_dma source(%dma_start3A_229 : memref<64xf32, #tpu.memory_space<hbm>>) target(%dma_start3A_226 : memref<64xf32, #tpu.memory_space<vmem>>) target_semaphore(%arg9 : memref<!tpu.dma_semaphore, #tpu.memory_space<semaphore_mem>>)
      %slice3A_230 = vector.extract_strided_slice %get3A_135 {offsets = [6], sizes = [1], strides = [1]} : vector<16xi32> to vector<1xi32>
      %squeeze3A_231 = vector.extract %slice3A_230[0] : i32 from vector<1xi32>
      %add3A_232 = arith.constant 6 : i32
      %add3A_233 = arith.addi %add3A_133, %add3A_232 : i32
      %dma_start3A_234 = arith.constant 0 : i32
      %dma_start3A_235 = tpu.memref_slice %arg6[%add3A_233, %dma_start3A_234] : memref<512x64xf32, #tpu.memory_space<vmem>> -> memref<1x64xf32, #tpu.memory_space<vmem>>
      %dma_start3A_236 = tpu.memref_squeeze %dma_start3A_235 : memref<1x64xf32, #tpu.memory_space<vmem>> -> memref<64xf32, #tpu.memory_space<vmem>>
      %dma_start3A_237 = arith.constant 0 : i32
      %dma_start3A_238 = tpu.memref_slice %arg3[%squeeze3A_231, %dma_start3A_237] : memref<1000000x64xf32, #tpu.memory_space<hbm>> -> memref<1x64xf32, #tpu.memory_space<hbm>>
      %dma_start3A_239 = tpu.memref_squeeze %dma_start3A_238 : memref<1x64xf32, #tpu.memory_space<hbm>> -> memref<64xf32, #tpu.memory_space<hbm>>
      %dma_start3A_240 = arith.constant 0 : i32
      %dma_start3A_241 = tpu.memref_slice %arg6[%add3A_233, %dma_start3A_240] : memref<512x64xf32, #tpu.memory_space<vmem>> -> memref<1x64xf32, #tpu.memory_space<vmem>>
      %dma_start3A_242 = tpu.memref_squeeze %dma_start3A_241 : memref<1x64xf32, #tpu.memory_space<vmem>> -> memref<64xf32, #tpu.memory_space<vmem>>
      %dma_start3A_243 = arith.constant 0 : i32
      %dma_start3A_244 = tpu.memref_slice %arg3[%squeeze3A_231, %dma_start3A_243] : memref<1000000x64xf32, #tpu.memory_space<hbm>> -> memref<1x64xf32, #tpu.memory_space<hbm>>
      %dma_start3A_245 = tpu.memref_squeeze %dma_start3A_244 : memref<1x64xf32, #tpu.memory_space<hbm>> -> memref<64xf32, #tpu.memory_space<hbm>>
      tpu.enqueue_dma source(%dma_start3A_245 : memref<64xf32, #tpu.memory_space<hbm>>) target(%dma_start3A_242 : memref<64xf32, #tpu.memory_space<vmem>>) target_semaphore(%arg9 : memref<!tpu.dma_semaphore, #tpu.memory_space<semaphore_mem>>)
      %slice3A_246 = vector.extract_strided_slice %get3A_135 {offsets = [7], sizes = [1], strides = [1]} : vector<16xi32> to vector<1xi32>
      %squeeze3A_247 = vector.extract %slice3A_246[0] : i32 from vector<1xi32>
      %add3A_248 = arith.constant 7 : i32
      %add3A_249 = arith.addi %add3A_133, %add3A_248 : i32
      %dma_start3A_250 = arith.constant 0 : i32
      %dma_start3A_251 = tpu.memref_slice %arg6[%add3A_249, %dma_start3A_250] : memref<512x64xf32, #tpu.memory_space<vmem>> -> memref<1x64xf32, #tpu.memory_space<vmem>>
      %dma_start3A_252 = tpu.memref_squeeze %dma_start3A_251 : memref<1x64xf32, #tpu.memory_space<vmem>> -> memref<64xf32, #tpu.memory_space<vmem>>
      %dma_start3A_253 = arith.constant 0 : i32
      %dma_start3A_254 = tpu.memref_slice %arg3[%squeeze3A_247, %dma_start3A_253] : memref<1000000x64xf32, #tpu.memory_space<hbm>> -> memref<1x64xf32, #tpu.memory_space<hbm>>
      %dma_start3A_255 = tpu.memref_squeeze %dma_start3A_254 : memref<1x64xf32, #tpu.memory_space<hbm>> -> memref<64xf32, #tpu.memory_space<hbm>>
      %dma_start3A_256 = arith.constant 0 : i32
      %dma_start3A_257 = tpu.memref_slice %arg6[%add3A_249, %dma_start3A_256] : memref<512x64xf32, #tpu.memory_space<vmem>> -> memref<1x64xf32, #tpu.memory_space<vmem>>
      %dma_start3A_258 = tpu.memref_squeeze %dma_start3A_257 : memref<1x64xf32, #tpu.memory_space<vmem>> -> memref<64xf32, #tpu.memory_space<vmem>>
      %dma_start3A_259 = arith.constant 0 : i32
      %dma_start3A_260 = tpu.memref_slice %arg3[%squeeze3A_247, %dma_start3A_259] : memref<1000000x64xf32, #tpu.memory_space<hbm>> -> memref<1x64xf32, #tpu.memory_space<hbm>>
      %dma_start3A_261 = tpu.memref_squeeze %dma_start3A_260 : memref<1x64xf32, #tpu.memory_space<hbm>> -> memref<64xf32, #tpu.memory_space<hbm>>
      tpu.enqueue_dma source(%dma_start3A_261 : memref<64xf32, #tpu.memory_space<hbm>>) target(%dma_start3A_258 : memref<64xf32, #tpu.memory_space<vmem>>) target_semaphore(%arg9 : memref<!tpu.dma_semaphore, #tpu.memory_space<semaphore_mem>>)
      %slice3A_262 = vector.extract_strided_slice %get3A_135 {offsets = [8], sizes = [1], strides = [1]} : vector<16xi32> to vector<1xi32>
      %squeeze3A_263 = vector.extract %slice3A_262[0] : i32 from vector<1xi32>
      %add3A_264 = arith.constant 8 : i32
      %add3A_265 = arith.addi %add3A_133, %add3A_264 : i32
      %dma_start3A_266 = arith.constant 0 : i32
      %dma_start3A_267 = tpu.memref_slice %arg6[%add3A_265, %dma_start3A_266] : memref<512x64xf32, #tpu.memory_space<vmem>> -> memref<1x64xf32, #tpu.memory_space<vmem>>
      %dma_start3A_268 = tpu.memref_squeeze %dma_start3A_267 : memref<1x64xf32, #tpu.memory_space<vmem>> -> memref<64xf32, #tpu.memory_space<vmem>>
      %dma_start3A_269 = arith.constant 0 : i32
      %dma_start3A_270 = tpu.memref_slice %arg3[%squeeze3A_263, %dma_start3A_269] : memref<1000000x64xf32, #tpu.memory_space<hbm>> -> memref<1x64xf32, #tpu.memory_space<hbm>>
      %dma_start3A_271 = tpu.memref_squeeze %dma_start3A_270 : memref<1x64xf32, #tpu.memory_space<hbm>> -> memref<64xf32, #tpu.memory_space<hbm>>
      %dma_start3A_272 = arith.constant 0 : i32
      %dma_start3A_273 = tpu.memref_slice %arg6[%add3A_265, %dma_start3A_272] : memref<512x64xf32, #tpu.memory_space<vmem>> -> memref<1x64xf32, #tpu.memory_space<vmem>>
      %dma_start3A_274 = tpu.memref_squeeze %dma_start3A_273 : memref<1x64xf32, #tpu.memory_space<vmem>> -> memref<64xf32, #tpu.memory_space<vmem>>
      %dma_start3A_275 = arith.constant 0 : i32
      %dma_start3A_276 = tpu.memref_slice %arg3[%squeeze3A_263, %dma_start3A_275] : memref<1000000x64xf32, #tpu.memory_space<hbm>> -> memref<1x64xf32, #tpu.memory_space<hbm>>
      %dma_start3A_277 = tpu.memref_squeeze %dma_start3A_276 : memref<1x64xf32, #tpu.memory_space<hbm>> -> memref<64xf32, #tpu.memory_space<hbm>>
      tpu.enqueue_dma source(%dma_start3A_277 : memref<64xf32, #tpu.memory_space<hbm>>) target(%dma_start3A_274 : memref<64xf32, #tpu.memory_space<vmem>>) target_semaphore(%arg9 : memref<!tpu.dma_semaphore, #tpu.memory_space<semaphore_mem>>)
      %slice3A_278 = vector.extract_strided_slice %get3A_135 {offsets = [9], sizes = [1], strides = [1]} : vector<16xi32> to vector<1xi32>
      %squeeze3A_279 = vector.extract %slice3A_278[0] : i32 from vector<1xi32>
      %add3A_280 = arith.constant 9 : i32
      %add3A_281 = arith.addi %add3A_133, %add3A_280 : i32
      %dma_start3A_282 = arith.constant 0 : i32
      %dma_start3A_283 = tpu.memref_slice %arg6[%add3A_281, %dma_start3A_282] : memref<512x64xf32, #tpu.memory_space<vmem>> -> memref<1x64xf32, #tpu.memory_space<vmem>>
      %dma_start3A_284 = tpu.memref_squeeze %dma_start3A_283 : memref<1x64xf32, #tpu.memory_space<vmem>> -> memref<64xf32, #tpu.memory_space<vmem>>
      %dma_start3A_285 = arith.constant 0 : i32
      %dma_start3A_286 = tpu.memref_slice %arg3[%squeeze3A_279, %dma_start3A_285] : memref<1000000x64xf32, #tpu.memory_space<hbm>> -> memref<1x64xf32, #tpu.memory_space<hbm>>
      %dma_start3A_287 = tpu.memref_squeeze %dma_start3A_286 : memref<1x64xf32, #tpu.memory_space<hbm>> -> memref<64xf32, #tpu.memory_space<hbm>>
      %dma_start3A_288 = arith.constant 0 : i32
      %dma_start3A_289 = tpu.memref_slice %arg6[%add3A_281, %dma_start3A_288] : memref<512x64xf32, #tpu.memory_space<vmem>> -> memref<1x64xf32, #tpu.memory_space<vmem>>
      %dma_start3A_290 = tpu.memref_squeeze %dma_start3A_289 : memref<1x64xf32, #tpu.memory_space<vmem>> -> memref<64xf32, #tpu.memory_space<vmem>>
      %dma_start3A_291 = arith.constant 0 : i32
      %dma_start3A_292 = tpu.memref_slice %arg3[%squeeze3A_279, %dma_start3A_291] : memref<1000000x64xf32, #tpu.memory_space<hbm>> -> memref<1x64xf32, #tpu.memory_space<hbm>>
      %dma_start3A_293 = tpu.memref_squeeze %dma_start3A_292 : memref<1x64xf32, #tpu.memory_space<hbm>> -> memref<64xf32, #tpu.memory_space<hbm>>
      tpu.enqueue_dma source(%dma_start3A_293 : memref<64xf32, #tpu.memory_space<hbm>>) target(%dma_start3A_290 : memref<64xf32, #tpu.memory_space<vmem>>) target_semaphore(%arg9 : memref<!tpu.dma_semaphore, #tpu.memory_space<semaphore_mem>>)
      %slice3A_294 = vector.extract_strided_slice %get3A_135 {offsets = [10], sizes = [1], strides = [1]} : vector<16xi32> to vector<1xi32>
      %squeeze3A_295 = vector.extract %slice3A_294[0] : i32 from vector<1xi32>
      %add3A_296 = arith.constant 10 : i32
      %add3A_297 = arith.addi %add3A_133, %add3A_296 : i32
      %dma_start3A_298 = arith.constant 0 : i32
      %dma_start3A_299 = tpu.memref_slice %arg6[%add3A_297, %dma_start3A_298] : memref<512x64xf32, #tpu.memory_space<vmem>> -> memref<1x64xf32, #tpu.memory_space<vmem>>
      %dma_start3A_300 = tpu.memref_squeeze %dma_start3A_299 : memref<1x64xf32, #tpu.memory_space<vmem>> -> memref<64xf32, #tpu.memory_space<vmem>>
      %dma_start3A_301 = arith.constant 0 : i32
      %dma_start3A_302 = tpu.memref_slice %arg3[%squeeze3A_295, %dma_start3A_301] : memref<1000000x64xf32, #tpu.memory_space<hbm>> -> memref<1x64xf32, #tpu.memory_space<hbm>>
      %dma_start3A_303 = tpu.memref_squeeze %dma_start3A_302 : memref<1x64xf32, #tpu.memory_space<hbm>> -> memref<64xf32, #tpu.memory_space<hbm>>
      %dma_start3A_304 = arith.constant 0 : i32
      %dma_start3A_305 = tpu.memref_slice %arg6[%add3A_297, %dma_start3A_304] : memref<512x64xf32, #tpu.memory_space<vmem>> -> memref<1x64xf32, #tpu.memory_space<vmem>>
      %dma_start3A_306 = tpu.memref_squeeze %dma_start3A_305 : memref<1x64xf32, #tpu.memory_space<vmem>> -> memref<64xf32, #tpu.memory_space<vmem>>
      %dma_start3A_307 = arith.constant 0 : i32
      %dma_start3A_308 = tpu.memref_slice %arg3[%squeeze3A_295, %dma_start3A_307] : memref<1000000x64xf32, #tpu.memory_space<hbm>> -> memref<1x64xf32, #tpu.memory_space<hbm>>
      %dma_start3A_309 = tpu.memref_squeeze %dma_start3A_308 : memref<1x64xf32, #tpu.memory_space<hbm>> -> memref<64xf32, #tpu.memory_space<hbm>>
      tpu.enqueue_dma source(%dma_start3A_309 : memref<64xf32, #tpu.memory_space<hbm>>) target(%dma_start3A_306 : memref<64xf32, #tpu.memory_space<vmem>>) target_semaphore(%arg9 : memref<!tpu.dma_semaphore, #tpu.memory_space<semaphore_mem>>)
      %slice3A_310 = vector.extract_strided_slice %get3A_135 {offsets = [11], sizes = [1], strides = [1]} : vector<16xi32> to vector<1xi32>
      %squeeze3A_311 = vector.extract %slice3A_310[0] : i32 from vector<1xi32>
      %add3A_312 = arith.constant 11 : i32
      %add3A_313 = arith.addi %add3A_133, %add3A_312 : i32
      %dma_start3A_314 = arith.constant 0 : i32
      %dma_start3A_315 = tpu.memref_slice %arg6[%add3A_313, %dma_start3A_314] : memref<512x64xf32, #tpu.memory_space<vmem>> -> memref<1x64xf32, #tpu.memory_space<vmem>>
      %dma_start3A_316 = tpu.memref_squeeze %dma_start3A_315 : memref<1x64xf32, #tpu.memory_space<vmem>> -> memref<64xf32, #tpu.memory_space<vmem>>
      %dma_start3A_317 = arith.constant 0 : i32
      %dma_start3A_318 = tpu.memref_slice %arg3[%squeeze3A_311, %dma_start3A_317] : memref<1000000x64xf32, #tpu.memory_space<hbm>> -> memref<1x64xf32, #tpu.memory_space<hbm>>
      %dma_start3A_319 = tpu.memref_squeeze %dma_start3A_318 : memref<1x64xf32, #tpu.memory_space<hbm>> -> memref<64xf32, #tpu.memory_space<hbm>>
      %dma_start3A_320 = arith.constant 0 : i32
      %dma_start3A_321 = tpu.memref_slice %arg6[%add3A_313, %dma_start3A_320] : memref<512x64xf32, #tpu.memory_space<vmem>> -> memref<1x64xf32, #tpu.memory_space<vmem>>
      %dma_start3A_322 = tpu.memref_squeeze %dma_start3A_321 : memref<1x64xf32, #tpu.memory_space<vmem>> -> memref<64xf32, #tpu.memory_space<vmem>>
      %dma_start3A_323 = arith.constant 0 : i32
      %dma_start3A_324 = tpu.memref_slice %arg3[%squeeze3A_311, %dma_start3A_323] : memref<1000000x64xf32, #tpu.memory_space<hbm>> -> memref<1x64xf32, #tpu.memory_space<hbm>>
      %dma_start3A_325 = tpu.memref_squeeze %dma_start3A_324 : memref<1x64xf32, #tpu.memory_space<hbm>> -> memref<64xf32, #tpu.memory_space<hbm>>
      tpu.enqueue_dma source(%dma_start3A_325 : memref<64xf32, #tpu.memory_space<hbm>>) target(%dma_start3A_322 : memref<64xf32, #tpu.memory_space<vmem>>) target_semaphore(%arg9 : memref<!tpu.dma_semaphore, #tpu.memory_space<semaphore_mem>>)
      %slice3A_326 = vector.extract_strided_slice %get3A_135 {offsets = [12], sizes = [1], strides = [1]} : vector<16xi32> to vector<1xi32>
      %squeeze3A_327 = vector.extract %slice3A_326[0] : i32 from vector<1xi32>
      %add3A_328 = arith.constant 12 : i32
      %add3A_329 = arith.addi %add3A_133, %add3A_328 : i32
      %dma_start3A_330 = arith.constant 0 : i32
      %dma_start3A_331 = tpu.memref_slice %arg6[%add3A_329, %dma_start3A_330] : memref<512x64xf32, #tpu.memory_space<vmem>> -> memref<1x64xf32, #tpu.memory_space<vmem>>
      %dma_start3A_332 = tpu.memref_squeeze %dma_start3A_331 : memref<1x64xf32, #tpu.memory_space<vmem>> -> memref<64xf32, #tpu.memory_space<vmem>>
      %dma_start3A_333 = arith.constant 0 : i32
      %dma_start3A_334 = tpu.memref_slice %arg3[%squeeze3A_327, %dma_start3A_333] : memref<1000000x64xf32, #tpu.memory_space<hbm>> -> memref<1x64xf32, #tpu.memory_space<hbm>>
      %dma_start3A_335 = tpu.memref_squeeze %dma_start3A_334 : memref<1x64xf32, #tpu.memory_space<hbm>> -> memref<64xf32, #tpu.memory_space<hbm>>
      %dma_start3A_336 = arith.constant 0 : i32
      %dma_start3A_337 = tpu.memref_slice %arg6[%add3A_329, %dma_start3A_336] : memref<512x64xf32, #tpu.memory_space<vmem>> -> memref<1x64xf32, #tpu.memory_space<vmem>>
      %dma_start3A_338 = tpu.memref_squeeze %dma_start3A_337 : memref<1x64xf32, #tpu.memory_space<vmem>> -> memref<64xf32, #tpu.memory_space<vmem>>
      %dma_start3A_339 = arith.constant 0 : i32
      %dma_start3A_340 = tpu.memref_slice %arg3[%squeeze3A_327, %dma_start3A_339] : memref<1000000x64xf32, #tpu.memory_space<hbm>> -> memref<1x64xf32, #tpu.memory_space<hbm>>
      %dma_start3A_341 = tpu.memref_squeeze %dma_start3A_340 : memref<1x64xf32, #tpu.memory_space<hbm>> -> memref<64xf32, #tpu.memory_space<hbm>>
      tpu.enqueue_dma source(%dma_start3A_341 : memref<64xf32, #tpu.memory_space<hbm>>) target(%dma_start3A_338 : memref<64xf32, #tpu.memory_space<vmem>>) target_semaphore(%arg9 : memref<!tpu.dma_semaphore, #tpu.memory_space<semaphore_mem>>)
      %slice3A_342 = vector.extract_strided_slice %get3A_135 {offsets = [13], sizes = [1], strides = [1]} : vector<16xi32> to vector<1xi32>
      %squeeze3A_343 = vector.extract %slice3A_342[0] : i32 from vector<1xi32>
      %add3A_344 = arith.constant 13 : i32
      %add3A_345 = arith.addi %add3A_133, %add3A_344 : i32
      %dma_start3A_346 = arith.constant 0 : i32
      %dma_start3A_347 = tpu.memref_slice %arg6[%add3A_345, %dma_start3A_346] : memref<512x64xf32, #tpu.memory_space<vmem>> -> memref<1x64xf32, #tpu.memory_space<vmem>>
      %dma_start3A_348 = tpu.memref_squeeze %dma_start3A_347 : memref<1x64xf32, #tpu.memory_space<vmem>> -> memref<64xf32, #tpu.memory_space<vmem>>
      %dma_start3A_349 = arith.constant 0 : i32
      %dma_start3A_350 = tpu.memref_slice %arg3[%squeeze3A_343, %dma_start3A_349] : memref<1000000x64xf32, #tpu.memory_space<hbm>> -> memref<1x64xf32, #tpu.memory_space<hbm>>
      %dma_start3A_351 = tpu.memref_squeeze %dma_start3A_350 : memref<1x64xf32, #tpu.memory_space<hbm>> -> memref<64xf32, #tpu.memory_space<hbm>>
      %dma_start3A_352 = arith.constant 0 : i32
      %dma_start3A_353 = tpu.memref_slice %arg6[%add3A_345, %dma_start3A_352] : memref<512x64xf32, #tpu.memory_space<vmem>> -> memref<1x64xf32, #tpu.memory_space<vmem>>
      %dma_start3A_354 = tpu.memref_squeeze %dma_start3A_353 : memref<1x64xf32, #tpu.memory_space<vmem>> -> memref<64xf32, #tpu.memory_space<vmem>>
      %dma_start3A_355 = arith.constant 0 : i32
      %dma_start3A_356 = tpu.memref_slice %arg3[%squeeze3A_343, %dma_start3A_355] : memref<1000000x64xf32, #tpu.memory_space<hbm>> -> memref<1x64xf32, #tpu.memory_space<hbm>>
      %dma_start3A_357 = tpu.memref_squeeze %dma_start3A_356 : memref<1x64xf32, #tpu.memory_space<hbm>> -> memref<64xf32, #tpu.memory_space<hbm>>
      tpu.enqueue_dma source(%dma_start3A_357 : memref<64xf32, #tpu.memory_space<hbm>>) target(%dma_start3A_354 : memref<64xf32, #tpu.memory_space<vmem>>) target_semaphore(%arg9 : memref<!tpu.dma_semaphore, #tpu.memory_space<semaphore_mem>>)
      %slice3A_358 = vector.extract_strided_slice %get3A_135 {offsets = [14], sizes = [1], strides = [1]} : vector<16xi32> to vector<1xi32>
      %squeeze3A_359 = vector.extract %slice3A_358[0] : i32 from vector<1xi32>
      %add3A_360 = arith.constant 14 : i32
      %add3A_361 = arith.addi %add3A_133, %add3A_360 : i32
      %dma_start3A_362 = arith.constant 0 : i32
      %dma_start3A_363 = tpu.memref_slice %arg6[%add3A_361, %dma_start3A_362] : memref<512x64xf32, #tpu.memory_space<vmem>> -> memref<1x64xf32, #tpu.memory_space<vmem>>
      %dma_start3A_364 = tpu.memref_squeeze %dma_start3A_363 : memref<1x64xf32, #tpu.memory_space<vmem>> -> memref<64xf32, #tpu.memory_space<vmem>>
      %dma_start3A_365 = arith.constant 0 : i32
      %dma_start3A_366 = tpu.memref_slice %arg3[%squeeze3A_359, %dma_start3A_365] : memref<1000000x64xf32, #tpu.memory_space<hbm>> -> memref<1x64xf32, #tpu.memory_space<hbm>>
      %dma_start3A_367 = tpu.memref_squeeze %dma_start3A_366 : memref<1x64xf32, #tpu.memory_space<hbm>> -> memref<64xf32, #tpu.memory_space<hbm>>
      %dma_start3A_368 = arith.constant 0 : i32
      %dma_start3A_369 = tpu.memref_slice %arg6[%add3A_361, %dma_start3A_368] : memref<512x64xf32, #tpu.memory_space<vmem>> -> memref<1x64xf32, #tpu.memory_space<vmem>>
      %dma_start3A_370 = tpu.memref_squeeze %dma_start3A_369 : memref<1x64xf32, #tpu.memory_space<vmem>> -> memref<64xf32, #tpu.memory_space<vmem>>
      %dma_start3A_371 = arith.constant 0 : i32
      %dma_start3A_372 = tpu.memref_slice %arg3[%squeeze3A_359, %dma_start3A_371] : memref<1000000x64xf32, #tpu.memory_space<hbm>> -> memref<1x64xf32, #tpu.memory_space<hbm>>
      %dma_start3A_373 = tpu.memref_squeeze %dma_start3A_372 : memref<1x64xf32, #tpu.memory_space<hbm>> -> memref<64xf32, #tpu.memory_space<hbm>>
      tpu.enqueue_dma source(%dma_start3A_373 : memref<64xf32, #tpu.memory_space<hbm>>) target(%dma_start3A_370 : memref<64xf32, #tpu.memory_space<vmem>>) target_semaphore(%arg9 : memref<!tpu.dma_semaphore, #tpu.memory_space<semaphore_mem>>)
      %slice3A_374 = vector.extract_strided_slice %get3A_135 {offsets = [15], sizes = [1], strides = [1]} : vector<16xi32> to vector<1xi32>
      %squeeze3A_375 = vector.extract %slice3A_374[0] : i32 from vector<1xi32>
      %add3A_376 = arith.constant 15 : i32
      %add3A_377 = arith.addi %add3A_133, %add3A_376 : i32
      %dma_start3A_378 = arith.constant 0 : i32
      %dma_start3A_379 = tpu.memref_slice %arg6[%add3A_377, %dma_start3A_378] : memref<512x64xf32, #tpu.memory_space<vmem>> -> memref<1x64xf32, #tpu.memory_space<vmem>>
      %dma_start3A_380 = tpu.memref_squeeze %dma_start3A_379 : memref<1x64xf32, #tpu.memory_space<vmem>> -> memref<64xf32, #tpu.memory_space<vmem>>
      %dma_start3A_381 = arith.constant 0 : i32
      %dma_start3A_382 = tpu.memref_slice %arg3[%squeeze3A_375, %dma_start3A_381] : memref<1000000x64xf32, #tpu.memory_space<hbm>> -> memref<1x64xf32, #tpu.memory_space<hbm>>
      %dma_start3A_383 = tpu.memref_squeeze %dma_start3A_382 : memref<1x64xf32, #tpu.memory_space<hbm>> -> memref<64xf32, #tpu.memory_space<hbm>>
      %dma_start3A_384 = arith.constant 0 : i32
      %dma_start3A_385 = tpu.memref_slice %arg6[%add3A_377, %dma_start3A_384] : memref<512x64xf32, #tpu.memory_space<vmem>> -> memref<1x64xf32, #tpu.memory_space<vmem>>
      %dma_start3A_386 = tpu.memref_squeeze %dma_start3A_385 : memref<1x64xf32, #tpu.memory_space<vmem>> -> memref<64xf32, #tpu.memory_space<vmem>>
      %dma_start3A_387 = arith.constant 0 : i32
      %dma_start3A_388 = tpu.memref_slice %arg3[%squeeze3A_375, %dma_start3A_387] : memref<1000000x64xf32, #tpu.memory_space<hbm>> -> memref<1x64xf32, #tpu.memory_space<hbm>>
      %dma_start3A_389 = tpu.memref_squeeze %dma_start3A_388 : memref<1x64xf32, #tpu.memory_space<hbm>> -> memref<64xf32, #tpu.memory_space<hbm>>
      tpu.enqueue_dma source(%dma_start3A_389 : memref<64xf32, #tpu.memory_space<hbm>>) target(%dma_start3A_386 : memref<64xf32, #tpu.memory_space<vmem>>) target_semaphore(%arg9 : memref<!tpu.dma_semaphore, #tpu.memory_space<semaphore_mem>>)
      %scan3A_390 = arith.constant 0 : i32
      scf.yield %scan3A_390 : i32
    }
    %scan3A_22 = arith.constant 8 : i32
    %scan3A_23 = arith.constant 0 : i32
    %scan3A_24 = arith.constant 0 : i32
    %scan3A_25 = arith.constant 8 : i32
    %scan3A_26 = arith.addi %scan3A_24, %scan3A_25 : i32
    %scan3A_27 = arith.constant 1 : i32
    %scan3A_28 = scf.for %scan3A_128 = %scan3A_24 to %scan3A_26 step %scan3A_27 iter_args(%scan3A_129 = %scan3A_23) -> (i32)  : i32 {
      %mul3A_130 = arith.constant 16 : i32
      %mul3A_131 = arith.muli %scan3A_128, %mul3A_130 : i32
      %add3A_132 = arith.constant 384 : i32
      %add3A_133 = arith.addi %add3A_132, %mul3A_131 : i32
      %get3A = arith.index_cast %add3A_133 : i32 to index
      %get3A_134 = tpu.vector_load %arg5[%get3A] {strides = array<i32>} : memref<512xi32, #tpu.memory_space<vmem>>, vector<16xi32>,
      %get3A_135 = vector.shape_cast %get3A_134 : vector<16xi32> to vector<16xi32>
      %slice3A = vector.extract_strided_slice %get3A_135 {offsets = [0], sizes = [1], strides = [1]} : vector<16xi32> to vector<1xi32>
      %squeeze3A = vector.extract %slice3A[0] : i32 from vector<1xi32>
      %add3A_136 = arith.constant 0 : i32
      %add3A_137 = arith.addi %add3A_133, %add3A_136 : i32
      %dma_start3A_138 = arith.constant 0 : i32
      %dma_start3A_139 = tpu.memref_slice %arg6[%add3A_137, %dma_start3A_138] : memref<512x64xf32, #tpu.memory_space<vmem>> -> memref<1x64xf32, #tpu.memory_space<vmem>>
      %dma_start3A_140 = tpu.memref_squeeze %dma_start3A_139 : memref<1x64xf32, #tpu.memory_space<vmem>> -> memref<64xf32, #tpu.memory_space<vmem>>
      %dma_start3A_141 = arith.constant 0 : i32
      %dma_start3A_142 = tpu.memref_slice %arg3[%squeeze3A, %dma_start3A_141] : memref<1000000x64xf32, #tpu.memory_space<hbm>> -> memref<1x64xf32, #tpu.memory_space<hbm>>
      %dma_start3A_143 = tpu.memref_squeeze %dma_start3A_142 : memref<1x64xf32, #tpu.memory_space<hbm>> -> memref<64xf32, #tpu.memory_space<hbm>>
      %dma_start3A_144 = arith.constant 0 : i32
      %dma_start3A_145 = tpu.memref_slice %arg6[%add3A_137, %dma_start3A_144] : memref<512x64xf32, #tpu.memory_space<vmem>> -> memref<1x64xf32, #tpu.memory_space<vmem>>
      %dma_start3A_146 = tpu.memref_squeeze %dma_start3A_145 : memref<1x64xf32, #tpu.memory_space<vmem>> -> memref<64xf32, #tpu.memory_space<vmem>>
      %dma_start3A_147 = arith.constant 0 : i32
      %dma_start3A_148 = tpu.memref_slice %arg3[%squeeze3A, %dma_start3A_147] : memref<1000000x64xf32, #tpu.memory_space<hbm>> -> memref<1x64xf32, #tpu.memory_space<hbm>>
      %dma_start3A_149 = tpu.memref_squeeze %dma_start3A_148 : memref<1x64xf32, #tpu.memory_space<hbm>> -> memref<64xf32, #tpu.memory_space<hbm>>
      tpu.enqueue_dma source(%dma_start3A_149 : memref<64xf32, #tpu.memory_space<hbm>>) target(%dma_start3A_146 : memref<64xf32, #tpu.memory_space<vmem>>) target_semaphore(%arg10 : memref<!tpu.dma_semaphore, #tpu.memory_space<semaphore_mem>>)
      %slice3A_150 = vector.extract_strided_slice %get3A_135 {offsets = [1], sizes = [1], strides = [1]} : vector<16xi32> to vector<1xi32>
      %squeeze3A_151 = vector.extract %slice3A_150[0] : i32 from vector<1xi32>
      %add3A_152 = arith.constant 1 : i32
      %add3A_153 = arith.addi %add3A_133, %add3A_152 : i32
      %dma_start3A_154 = arith.constant 0 : i32
      %dma_start3A_155 = tpu.memref_slice %arg6[%add3A_153, %dma_start3A_154] : memref<512x64xf32, #tpu.memory_space<vmem>> -> memref<1x64xf32, #tpu.memory_space<vmem>>
      %dma_start3A_156 = tpu.memref_squeeze %dma_start3A_155 : memref<1x64xf32, #tpu.memory_space<vmem>> -> memref<64xf32, #tpu.memory_space<vmem>>
      %dma_start3A_157 = arith.constant 0 : i32
      %dma_start3A_158 = tpu.memref_slice %arg3[%squeeze3A_151, %dma_start3A_157] : memref<1000000x64xf32, #tpu.memory_space<hbm>> -> memref<1x64xf32, #tpu.memory_space<hbm>>
      %dma_start3A_159 = tpu.memref_squeeze %dma_start3A_158 : memref<1x64xf32, #tpu.memory_space<hbm>> -> memref<64xf32, #tpu.memory_space<hbm>>
      %dma_start3A_160 = arith.constant 0 : i32
      %dma_start3A_161 = tpu.memref_slice %arg6[%add3A_153, %dma_start3A_160] : memref<512x64xf32, #tpu.memory_space<vmem>> -> memref<1x64xf32, #tpu.memory_space<vmem>>
      %dma_start3A_162 = tpu.memref_squeeze %dma_start3A_161 : memref<1x64xf32, #tpu.memory_space<vmem>> -> memref<64xf32, #tpu.memory_space<vmem>>
      %dma_start3A_163 = arith.constant 0 : i32
      %dma_start3A_164 = tpu.memref_slice %arg3[%squeeze3A_151, %dma_start3A_163] : memref<1000000x64xf32, #tpu.memory_space<hbm>> -> memref<1x64xf32, #tpu.memory_space<hbm>>
      %dma_start3A_165 = tpu.memref_squeeze %dma_start3A_164 : memref<1x64xf32, #tpu.memory_space<hbm>> -> memref<64xf32, #tpu.memory_space<hbm>>
      tpu.enqueue_dma source(%dma_start3A_165 : memref<64xf32, #tpu.memory_space<hbm>>) target(%dma_start3A_162 : memref<64xf32, #tpu.memory_space<vmem>>) target_semaphore(%arg10 : memref<!tpu.dma_semaphore, #tpu.memory_space<semaphore_mem>>)
      %slice3A_166 = vector.extract_strided_slice %get3A_135 {offsets = [2], sizes = [1], strides = [1]} : vector<16xi32> to vector<1xi32>
      %squeeze3A_167 = vector.extract %slice3A_166[0] : i32 from vector<1xi32>
      %add3A_168 = arith.constant 2 : i32
      %add3A_169 = arith.addi %add3A_133, %add3A_168 : i32
      %dma_start3A_170 = arith.constant 0 : i32
      %dma_start3A_171 = tpu.memref_slice %arg6[%add3A_169, %dma_start3A_170] : memref<512x64xf32, #tpu.memory_space<vmem>> -> memref<1x64xf32, #tpu.memory_space<vmem>>
      %dma_start3A_172 = tpu.memref_squeeze %dma_start3A_171 : memref<1x64xf32, #tpu.memory_space<vmem>> -> memref<64xf32, #tpu.memory_space<vmem>>
      %dma_start3A_173 = arith.constant 0 : i32
      %dma_start3A_174 = tpu.memref_slice %arg3[%squeeze3A_167, %dma_start3A_173] : memref<1000000x64xf32, #tpu.memory_space<hbm>> -> memref<1x64xf32, #tpu.memory_space<hbm>>
      %dma_start3A_175 = tpu.memref_squeeze %dma_start3A_174 : memref<1x64xf32, #tpu.memory_space<hbm>> -> memref<64xf32, #tpu.memory_space<hbm>>
      %dma_start3A_176 = arith.constant 0 : i32
      %dma_start3A_177 = tpu.memref_slice %arg6[%add3A_169, %dma_start3A_176] : memref<512x64xf32, #tpu.memory_space<vmem>> -> memref<1x64xf32, #tpu.memory_space<vmem>>
      %dma_start3A_178 = tpu.memref_squeeze %dma_start3A_177 : memref<1x64xf32, #tpu.memory_space<vmem>> -> memref<64xf32, #tpu.memory_space<vmem>>
      %dma_start3A_179 = arith.constant 0 : i32
      %dma_start3A_180 = tpu.memref_slice %arg3[%squeeze3A_167, %dma_start3A_179] : memref<1000000x64xf32, #tpu.memory_space<hbm>> -> memref<1x64xf32, #tpu.memory_space<hbm>>
      %dma_start3A_181 = tpu.memref_squeeze %dma_start3A_180 : memref<1x64xf32, #tpu.memory_space<hbm>> -> memref<64xf32, #tpu.memory_space<hbm>>
      tpu.enqueue_dma source(%dma_start3A_181 : memref<64xf32, #tpu.memory_space<hbm>>) target(%dma_start3A_178 : memref<64xf32, #tpu.memory_space<vmem>>) target_semaphore(%arg10 : memref<!tpu.dma_semaphore, #tpu.memory_space<semaphore_mem>>)
      %slice3A_182 = vector.extract_strided_slice %get3A_135 {offsets = [3], sizes = [1], strides = [1]} : vector<16xi32> to vector<1xi32>
      %squeeze3A_183 = vector.extract %slice3A_182[0] : i32 from vector<1xi32>
      %add3A_184 = arith.constant 3 : i32
      %add3A_185 = arith.addi %add3A_133, %add3A_184 : i32
      %dma_start3A_186 = arith.constant 0 : i32
      %dma_start3A_187 = tpu.memref_slice %arg6[%add3A_185, %dma_start3A_186] : memref<512x64xf32, #tpu.memory_space<vmem>> -> memref<1x64xf32, #tpu.memory_space<vmem>>
      %dma_start3A_188 = tpu.memref_squeeze %dma_start3A_187 : memref<1x64xf32, #tpu.memory_space<vmem>> -> memref<64xf32, #tpu.memory_space<vmem>>
      %dma_start3A_189 = arith.constant 0 : i32
      %dma_start3A_190 = tpu.memref_slice %arg3[%squeeze3A_183, %dma_start3A_189] : memref<1000000x64xf32, #tpu.memory_space<hbm>> -> memref<1x64xf32, #tpu.memory_space<hbm>>
      %dma_start3A_191 = tpu.memref_squeeze %dma_start3A_190 : memref<1x64xf32, #tpu.memory_space<hbm>> -> memref<64xf32, #tpu.memory_space<hbm>>
      %dma_start3A_192 = arith.constant 0 : i32
      %dma_start3A_193 = tpu.memref_slice %arg6[%add3A_185, %dma_start3A_192] : memref<512x64xf32, #tpu.memory_space<vmem>> -> memref<1x64xf32, #tpu.memory_space<vmem>>
      %dma_start3A_194 = tpu.memref_squeeze %dma_start3A_193 : memref<1x64xf32, #tpu.memory_space<vmem>> -> memref<64xf32, #tpu.memory_space<vmem>>
      %dma_start3A_195 = arith.constant 0 : i32
      %dma_start3A_196 = tpu.memref_slice %arg3[%squeeze3A_183, %dma_start3A_195] : memref<1000000x64xf32, #tpu.memory_space<hbm>> -> memref<1x64xf32, #tpu.memory_space<hbm>>
      %dma_start3A_197 = tpu.memref_squeeze %dma_start3A_196 : memref<1x64xf32, #tpu.memory_space<hbm>> -> memref<64xf32, #tpu.memory_space<hbm>>
      tpu.enqueue_dma source(%dma_start3A_197 : memref<64xf32, #tpu.memory_space<hbm>>) target(%dma_start3A_194 : memref<64xf32, #tpu.memory_space<vmem>>) target_semaphore(%arg10 : memref<!tpu.dma_semaphore, #tpu.memory_space<semaphore_mem>>)
      %slice3A_198 = vector.extract_strided_slice %get3A_135 {offsets = [4], sizes = [1], strides = [1]} : vector<16xi32> to vector<1xi32>
      %squeeze3A_199 = vector.extract %slice3A_198[0] : i32 from vector<1xi32>
      %add3A_200 = arith.constant 4 : i32
      %add3A_201 = arith.addi %add3A_133, %add3A_200 : i32
      %dma_start3A_202 = arith.constant 0 : i32
      %dma_start3A_203 = tpu.memref_slice %arg6[%add3A_201, %dma_start3A_202] : memref<512x64xf32, #tpu.memory_space<vmem>> -> memref<1x64xf32, #tpu.memory_space<vmem>>
      %dma_start3A_204 = tpu.memref_squeeze %dma_start3A_203 : memref<1x64xf32, #tpu.memory_space<vmem>> -> memref<64xf32, #tpu.memory_space<vmem>>
      %dma_start3A_205 = arith.constant 0 : i32
      %dma_start3A_206 = tpu.memref_slice %arg3[%squeeze3A_199, %dma_start3A_205] : memref<1000000x64xf32, #tpu.memory_space<hbm>> -> memref<1x64xf32, #tpu.memory_space<hbm>>
      %dma_start3A_207 = tpu.memref_squeeze %dma_start3A_206 : memref<1x64xf32, #tpu.memory_space<hbm>> -> memref<64xf32, #tpu.memory_space<hbm>>
      %dma_start3A_208 = arith.constant 0 : i32
      %dma_start3A_209 = tpu.memref_slice %arg6[%add3A_201, %dma_start3A_208] : memref<512x64xf32, #tpu.memory_space<vmem>> -> memref<1x64xf32, #tpu.memory_space<vmem>>
      %dma_start3A_210 = tpu.memref_squeeze %dma_start3A_209 : memref<1x64xf32, #tpu.memory_space<vmem>> -> memref<64xf32, #tpu.memory_space<vmem>>
      %dma_start3A_211 = arith.constant 0 : i32
      %dma_start3A_212 = tpu.memref_slice %arg3[%squeeze3A_199, %dma_start3A_211] : memref<1000000x64xf32, #tpu.memory_space<hbm>> -> memref<1x64xf32, #tpu.memory_space<hbm>>
      %dma_start3A_213 = tpu.memref_squeeze %dma_start3A_212 : memref<1x64xf32, #tpu.memory_space<hbm>> -> memref<64xf32, #tpu.memory_space<hbm>>
      tpu.enqueue_dma source(%dma_start3A_213 : memref<64xf32, #tpu.memory_space<hbm>>) target(%dma_start3A_210 : memref<64xf32, #tpu.memory_space<vmem>>) target_semaphore(%arg10 : memref<!tpu.dma_semaphore, #tpu.memory_space<semaphore_mem>>)
      %slice3A_214 = vector.extract_strided_slice %get3A_135 {offsets = [5], sizes = [1], strides = [1]} : vector<16xi32> to vector<1xi32>
      %squeeze3A_215 = vector.extract %slice3A_214[0] : i32 from vector<1xi32>
      %add3A_216 = arith.constant 5 : i32
      %add3A_217 = arith.addi %add3A_133, %add3A_216 : i32
      %dma_start3A_218 = arith.constant 0 : i32
      %dma_start3A_219 = tpu.memref_slice %arg6[%add3A_217, %dma_start3A_218] : memref<512x64xf32, #tpu.memory_space<vmem>> -> memref<1x64xf32, #tpu.memory_space<vmem>>
      %dma_start3A_220 = tpu.memref_squeeze %dma_start3A_219 : memref<1x64xf32, #tpu.memory_space<vmem>> -> memref<64xf32, #tpu.memory_space<vmem>>
      %dma_start3A_221 = arith.constant 0 : i32
      %dma_start3A_222 = tpu.memref_slice %arg3[%squeeze3A_215, %dma_start3A_221] : memref<1000000x64xf32, #tpu.memory_space<hbm>> -> memref<1x64xf32, #tpu.memory_space<hbm>>
      %dma_start3A_223 = tpu.memref_squeeze %dma_start3A_222 : memref<1x64xf32, #tpu.memory_space<hbm>> -> memref<64xf32, #tpu.memory_space<hbm>>
      %dma_start3A_224 = arith.constant 0 : i32
      %dma_start3A_225 = tpu.memref_slice %arg6[%add3A_217, %dma_start3A_224] : memref<512x64xf32, #tpu.memory_space<vmem>> -> memref<1x64xf32, #tpu.memory_space<vmem>>
      %dma_start3A_226 = tpu.memref_squeeze %dma_start3A_225 : memref<1x64xf32, #tpu.memory_space<vmem>> -> memref<64xf32, #tpu.memory_space<vmem>>
      %dma_start3A_227 = arith.constant 0 : i32
      %dma_start3A_228 = tpu.memref_slice %arg3[%squeeze3A_215, %dma_start3A_227] : memref<1000000x64xf32, #tpu.memory_space<hbm>> -> memref<1x64xf32, #tpu.memory_space<hbm>>
      %dma_start3A_229 = tpu.memref_squeeze %dma_start3A_228 : memref<1x64xf32, #tpu.memory_space<hbm>> -> memref<64xf32, #tpu.memory_space<hbm>>
      tpu.enqueue_dma source(%dma_start3A_229 : memref<64xf32, #tpu.memory_space<hbm>>) target(%dma_start3A_226 : memref<64xf32, #tpu.memory_space<vmem>>) target_semaphore(%arg10 : memref<!tpu.dma_semaphore, #tpu.memory_space<semaphore_mem>>)
      %slice3A_230 = vector.extract_strided_slice %get3A_135 {offsets = [6], sizes = [1], strides = [1]} : vector<16xi32> to vector<1xi32>
      %squeeze3A_231 = vector.extract %slice3A_230[0] : i32 from vector<1xi32>
      %add3A_232 = arith.constant 6 : i32
      %add3A_233 = arith.addi %add3A_133, %add3A_232 : i32
      %dma_start3A_234 = arith.constant 0 : i32
      %dma_start3A_235 = tpu.memref_slice %arg6[%add3A_233, %dma_start3A_234] : memref<512x64xf32, #tpu.memory_space<vmem>> -> memref<1x64xf32, #tpu.memory_space<vmem>>
      %dma_start3A_236 = tpu.memref_squeeze %dma_start3A_235 : memref<1x64xf32, #tpu.memory_space<vmem>> -> memref<64xf32, #tpu.memory_space<vmem>>
      %dma_start3A_237 = arith.constant 0 : i32
      %dma_start3A_238 = tpu.memref_slice %arg3[%squeeze3A_231, %dma_start3A_237] : memref<1000000x64xf32, #tpu.memory_space<hbm>> -> memref<1x64xf32, #tpu.memory_space<hbm>>
      %dma_start3A_239 = tpu.memref_squeeze %dma_start3A_238 : memref<1x64xf32, #tpu.memory_space<hbm>> -> memref<64xf32, #tpu.memory_space<hbm>>
      %dma_start3A_240 = arith.constant 0 : i32
      %dma_start3A_241 = tpu.memref_slice %arg6[%add3A_233, %dma_start3A_240] : memref<512x64xf32, #tpu.memory_space<vmem>> -> memref<1x64xf32, #tpu.memory_space<vmem>>
      %dma_start3A_242 = tpu.memref_squeeze %dma_start3A_241 : memref<1x64xf32, #tpu.memory_space<vmem>> -> memref<64xf32, #tpu.memory_space<vmem>>
      %dma_start3A_243 = arith.constant 0 : i32
      %dma_start3A_244 = tpu.memref_slice %arg3[%squeeze3A_231, %dma_start3A_243] : memref<1000000x64xf32, #tpu.memory_space<hbm>> -> memref<1x64xf32, #tpu.memory_space<hbm>>
      %dma_start3A_245 = tpu.memref_squeeze %dma_start3A_244 : memref<1x64xf32, #tpu.memory_space<hbm>> -> memref<64xf32, #tpu.memory_space<hbm>>
      tpu.enqueue_dma source(%dma_start3A_245 : memref<64xf32, #tpu.memory_space<hbm>>) target(%dma_start3A_242 : memref<64xf32, #tpu.memory_space<vmem>>) target_semaphore(%arg10 : memref<!tpu.dma_semaphore, #tpu.memory_space<semaphore_mem>>)
      %slice3A_246 = vector.extract_strided_slice %get3A_135 {offsets = [7], sizes = [1], strides = [1]} : vector<16xi32> to vector<1xi32>
      %squeeze3A_247 = vector.extract %slice3A_246[0] : i32 from vector<1xi32>
      %add3A_248 = arith.constant 7 : i32
      %add3A_249 = arith.addi %add3A_133, %add3A_248 : i32
      %dma_start3A_250 = arith.constant 0 : i32
      %dma_start3A_251 = tpu.memref_slice %arg6[%add3A_249, %dma_start3A_250] : memref<512x64xf32, #tpu.memory_space<vmem>> -> memref<1x64xf32, #tpu.memory_space<vmem>>
      %dma_start3A_252 = tpu.memref_squeeze %dma_start3A_251 : memref<1x64xf32, #tpu.memory_space<vmem>> -> memref<64xf32, #tpu.memory_space<vmem>>
      %dma_start3A_253 = arith.constant 0 : i32
      %dma_start3A_254 = tpu.memref_slice %arg3[%squeeze3A_247, %dma_start3A_253] : memref<1000000x64xf32, #tpu.memory_space<hbm>> -> memref<1x64xf32, #tpu.memory_space<hbm>>
      %dma_start3A_255 = tpu.memref_squeeze %dma_start3A_254 : memref<1x64xf32, #tpu.memory_space<hbm>> -> memref<64xf32, #tpu.memory_space<hbm>>
      %dma_start3A_256 = arith.constant 0 : i32
      %dma_start3A_257 = tpu.memref_slice %arg6[%add3A_249, %dma_start3A_256] : memref<512x64xf32, #tpu.memory_space<vmem>> -> memref<1x64xf32, #tpu.memory_space<vmem>>
      %dma_start3A_258 = tpu.memref_squeeze %dma_start3A_257 : memref<1x64xf32, #tpu.memory_space<vmem>> -> memref<64xf32, #tpu.memory_space<vmem>>
      %dma_start3A_259 = arith.constant 0 : i32
      %dma_start3A_260 = tpu.memref_slice %arg3[%squeeze3A_247, %dma_start3A_259] : memref<1000000x64xf32, #tpu.memory_space<hbm>> -> memref<1x64xf32, #tpu.memory_space<hbm>>
      %dma_start3A_261 = tpu.memref_squeeze %dma_start3A_260 : memref<1x64xf32, #tpu.memory_space<hbm>> -> memref<64xf32, #tpu.memory_space<hbm>>
      tpu.enqueue_dma source(%dma_start3A_261 : memref<64xf32, #tpu.memory_space<hbm>>) target(%dma_start3A_258 : memref<64xf32, #tpu.memory_space<vmem>>) target_semaphore(%arg10 : memref<!tpu.dma_semaphore, #tpu.memory_space<semaphore_mem>>)
      %slice3A_262 = vector.extract_strided_slice %get3A_135 {offsets = [8], sizes = [1], strides = [1]} : vector<16xi32> to vector<1xi32>
      %squeeze3A_263 = vector.extract %slice3A_262[0] : i32 from vector<1xi32>
      %add3A_264 = arith.constant 8 : i32
      %add3A_265 = arith.addi %add3A_133, %add3A_264 : i32
      %dma_start3A_266 = arith.constant 0 : i32
      %dma_start3A_267 = tpu.memref_slice %arg6[%add3A_265, %dma_start3A_266] : memref<512x64xf32, #tpu.memory_space<vmem>> -> memref<1x64xf32, #tpu.memory_space<vmem>>
      %dma_start3A_268 = tpu.memref_squeeze %dma_start3A_267 : memref<1x64xf32, #tpu.memory_space<vmem>> -> memref<64xf32, #tpu.memory_space<vmem>>
      %dma_start3A_269 = arith.constant 0 : i32
      %dma_start3A_270 = tpu.memref_slice %arg3[%squeeze3A_263, %dma_start3A_269] : memref<1000000x64xf32, #tpu.memory_space<hbm>> -> memref<1x64xf32, #tpu.memory_space<hbm>>
      %dma_start3A_271 = tpu.memref_squeeze %dma_start3A_270 : memref<1x64xf32, #tpu.memory_space<hbm>> -> memref<64xf32, #tpu.memory_space<hbm>>
      %dma_start3A_272 = arith.constant 0 : i32
      %dma_start3A_273 = tpu.memref_slice %arg6[%add3A_265, %dma_start3A_272] : memref<512x64xf32, #tpu.memory_space<vmem>> -> memref<1x64xf32, #tpu.memory_space<vmem>>
      %dma_start3A_274 = tpu.memref_squeeze %dma_start3A_273 : memref<1x64xf32, #tpu.memory_space<vmem>> -> memref<64xf32, #tpu.memory_space<vmem>>
      %dma_start3A_275 = arith.constant 0 : i32
      %dma_start3A_276 = tpu.memref_slice %arg3[%squeeze3A_263, %dma_start3A_275] : memref<1000000x64xf32, #tpu.memory_space<hbm>> -> memref<1x64xf32, #tpu.memory_space<hbm>>
      %dma_start3A_277 = tpu.memref_squeeze %dma_start3A_276 : memref<1x64xf32, #tpu.memory_space<hbm>> -> memref<64xf32, #tpu.memory_space<hbm>>
      tpu.enqueue_dma source(%dma_start3A_277 : memref<64xf32, #tpu.memory_space<hbm>>) target(%dma_start3A_274 : memref<64xf32, #tpu.memory_space<vmem>>) target_semaphore(%arg10 : memref<!tpu.dma_semaphore, #tpu.memory_space<semaphore_mem>>)
      %slice3A_278 = vector.extract_strided_slice %get3A_135 {offsets = [9], sizes = [1], strides = [1]} : vector<16xi32> to vector<1xi32>
      %squeeze3A_279 = vector.extract %slice3A_278[0] : i32 from vector<1xi32>
      %add3A_280 = arith.constant 9 : i32
      %add3A_281 = arith.addi %add3A_133, %add3A_280 : i32
      %dma_start3A_282 = arith.constant 0 : i32
      %dma_start3A_283 = tpu.memref_slice %arg6[%add3A_281, %dma_start3A_282] : memref<512x64xf32, #tpu.memory_space<vmem>> -> memref<1x64xf32, #tpu.memory_space<vmem>>
      %dma_start3A_284 = tpu.memref_squeeze %dma_start3A_283 : memref<1x64xf32, #tpu.memory_space<vmem>> -> memref<64xf32, #tpu.memory_space<vmem>>
      %dma_start3A_285 = arith.constant 0 : i32
      %dma_start3A_286 = tpu.memref_slice %arg3[%squeeze3A_279, %dma_start3A_285] : memref<1000000x64xf32, #tpu.memory_space<hbm>> -> memref<1x64xf32, #tpu.memory_space<hbm>>
      %dma_start3A_287 = tpu.memref_squeeze %dma_start3A_286 : memref<1x64xf32, #tpu.memory_space<hbm>> -> memref<64xf32, #tpu.memory_space<hbm>>
      %dma_start3A_288 = arith.constant 0 : i32
      %dma_start3A_289 = tpu.memref_slice %arg6[%add3A_281, %dma_start3A_288] : memref<512x64xf32, #tpu.memory_space<vmem>> -> memref<1x64xf32, #tpu.memory_space<vmem>>
      %dma_start3A_290 = tpu.memref_squeeze %dma_start3A_289 : memref<1x64xf32, #tpu.memory_space<vmem>> -> memref<64xf32, #tpu.memory_space<vmem>>
      %dma_start3A_291 = arith.constant 0 : i32
      %dma_start3A_292 = tpu.memref_slice %arg3[%squeeze3A_279, %dma_start3A_291] : memref<1000000x64xf32, #tpu.memory_space<hbm>> -> memref<1x64xf32, #tpu.memory_space<hbm>>
      %dma_start3A_293 = tpu.memref_squeeze %dma_start3A_292 : memref<1x64xf32, #tpu.memory_space<hbm>> -> memref<64xf32, #tpu.memory_space<hbm>>
      tpu.enqueue_dma source(%dma_start3A_293 : memref<64xf32, #tpu.memory_space<hbm>>) target(%dma_start3A_290 : memref<64xf32, #tpu.memory_space<vmem>>) target_semaphore(%arg10 : memref<!tpu.dma_semaphore, #tpu.memory_space<semaphore_mem>>)
      %slice3A_294 = vector.extract_strided_slice %get3A_135 {offsets = [10], sizes = [1], strides = [1]} : vector<16xi32> to vector<1xi32>
      %squeeze3A_295 = vector.extract %slice3A_294[0] : i32 from vector<1xi32>
      %add3A_296 = arith.constant 10 : i32
      %add3A_297 = arith.addi %add3A_133, %add3A_296 : i32
      %dma_start3A_298 = arith.constant 0 : i32
      %dma_start3A_299 = tpu.memref_slice %arg6[%add3A_297, %dma_start3A_298] : memref<512x64xf32, #tpu.memory_space<vmem>> -> memref<1x64xf32, #tpu.memory_space<vmem>>
      %dma_start3A_300 = tpu.memref_squeeze %dma_start3A_299 : memref<1x64xf32, #tpu.memory_space<vmem>> -> memref<64xf32, #tpu.memory_space<vmem>>
      %dma_start3A_301 = arith.constant 0 : i32
      %dma_start3A_302 = tpu.memref_slice %arg3[%squeeze3A_295, %dma_start3A_301] : memref<1000000x64xf32, #tpu.memory_space<hbm>> -> memref<1x64xf32, #tpu.memory_space<hbm>>
      %dma_start3A_303 = tpu.memref_squeeze %dma_start3A_302 : memref<1x64xf32, #tpu.memory_space<hbm>> -> memref<64xf32, #tpu.memory_space<hbm>>
      %dma_start3A_304 = arith.constant 0 : i32
      %dma_start3A_305 = tpu.memref_slice %arg6[%add3A_297, %dma_start3A_304] : memref<512x64xf32, #tpu.memory_space<vmem>> -> memref<1x64xf32, #tpu.memory_space<vmem>>
      %dma_start3A_306 = tpu.memref_squeeze %dma_start3A_305 : memref<1x64xf32, #tpu.memory_space<vmem>> -> memref<64xf32, #tpu.memory_space<vmem>>
      %dma_start3A_307 = arith.constant 0 : i32
      %dma_start3A_308 = tpu.memref_slice %arg3[%squeeze3A_295, %dma_start3A_307] : memref<1000000x64xf32, #tpu.memory_space<hbm>> -> memref<1x64xf32, #tpu.memory_space<hbm>>
      %dma_start3A_309 = tpu.memref_squeeze %dma_start3A_308 : memref<1x64xf32, #tpu.memory_space<hbm>> -> memref<64xf32, #tpu.memory_space<hbm>>
      tpu.enqueue_dma source(%dma_start3A_309 : memref<64xf32, #tpu.memory_space<hbm>>) target(%dma_start3A_306 : memref<64xf32, #tpu.memory_space<vmem>>) target_semaphore(%arg10 : memref<!tpu.dma_semaphore, #tpu.memory_space<semaphore_mem>>)
      %slice3A_310 = vector.extract_strided_slice %get3A_135 {offsets = [11], sizes = [1], strides = [1]} : vector<16xi32> to vector<1xi32>
      %squeeze3A_311 = vector.extract %slice3A_310[0] : i32 from vector<1xi32>
      %add3A_312 = arith.constant 11 : i32
      %add3A_313 = arith.addi %add3A_133, %add3A_312 : i32
      %dma_start3A_314 = arith.constant 0 : i32
      %dma_start3A_315 = tpu.memref_slice %arg6[%add3A_313, %dma_start3A_314] : memref<512x64xf32, #tpu.memory_space<vmem>> -> memref<1x64xf32, #tpu.memory_space<vmem>>
      %dma_start3A_316 = tpu.memref_squeeze %dma_start3A_315 : memref<1x64xf32, #tpu.memory_space<vmem>> -> memref<64xf32, #tpu.memory_space<vmem>>
      %dma_start3A_317 = arith.constant 0 : i32
      %dma_start3A_318 = tpu.memref_slice %arg3[%squeeze3A_311, %dma_start3A_317] : memref<1000000x64xf32, #tpu.memory_space<hbm>> -> memref<1x64xf32, #tpu.memory_space<hbm>>
      %dma_start3A_319 = tpu.memref_squeeze %dma_start3A_318 : memref<1x64xf32, #tpu.memory_space<hbm>> -> memref<64xf32, #tpu.memory_space<hbm>>
      %dma_start3A_320 = arith.constant 0 : i32
      %dma_start3A_321 = tpu.memref_slice %arg6[%add3A_313, %dma_start3A_320] : memref<512x64xf32, #tpu.memory_space<vmem>> -> memref<1x64xf32, #tpu.memory_space<vmem>>
      %dma_start3A_322 = tpu.memref_squeeze %dma_start3A_321 : memref<1x64xf32, #tpu.memory_space<vmem>> -> memref<64xf32, #tpu.memory_space<vmem>>
      %dma_start3A_323 = arith.constant 0 : i32
      %dma_start3A_324 = tpu.memref_slice %arg3[%squeeze3A_311, %dma_start3A_323] : memref<1000000x64xf32, #tpu.memory_space<hbm>> -> memref<1x64xf32, #tpu.memory_space<hbm>>
      %dma_start3A_325 = tpu.memref_squeeze %dma_start3A_324 : memref<1x64xf32, #tpu.memory_space<hbm>> -> memref<64xf32, #tpu.memory_space<hbm>>
      tpu.enqueue_dma source(%dma_start3A_325 : memref<64xf32, #tpu.memory_space<hbm>>) target(%dma_start3A_322 : memref<64xf32, #tpu.memory_space<vmem>>) target_semaphore(%arg10 : memref<!tpu.dma_semaphore, #tpu.memory_space<semaphore_mem>>)
      %slice3A_326 = vector.extract_strided_slice %get3A_135 {offsets = [12], sizes = [1], strides = [1]} : vector<16xi32> to vector<1xi32>
      %squeeze3A_327 = vector.extract %slice3A_326[0] : i32 from vector<1xi32>
      %add3A_328 = arith.constant 12 : i32
      %add3A_329 = arith.addi %add3A_133, %add3A_328 : i32
      %dma_start3A_330 = arith.constant 0 : i32
      %dma_start3A_331 = tpu.memref_slice %arg6[%add3A_329, %dma_start3A_330] : memref<512x64xf32, #tpu.memory_space<vmem>> -> memref<1x64xf32, #tpu.memory_space<vmem>>
      %dma_start3A_332 = tpu.memref_squeeze %dma_start3A_331 : memref<1x64xf32, #tpu.memory_space<vmem>> -> memref<64xf32, #tpu.memory_space<vmem>>
      %dma_start3A_333 = arith.constant 0 : i32
      %dma_start3A_334 = tpu.memref_slice %arg3[%squeeze3A_327, %dma_start3A_333] : memref<1000000x64xf32, #tpu.memory_space<hbm>> -> memref<1x64xf32, #tpu.memory_space<hbm>>
      %dma_start3A_335 = tpu.memref_squeeze %dma_start3A_334 : memref<1x64xf32, #tpu.memory_space<hbm>> -> memref<64xf32, #tpu.memory_space<hbm>>
      %dma_start3A_336 = arith.constant 0 : i32
      %dma_start3A_337 = tpu.memref_slice %arg6[%add3A_329, %dma_start3A_336] : memref<512x64xf32, #tpu.memory_space<vmem>> -> memref<1x64xf32, #tpu.memory_space<vmem>>
      %dma_start3A_338 = tpu.memref_squeeze %dma_start3A_337 : memref<1x64xf32, #tpu.memory_space<vmem>> -> memref<64xf32, #tpu.memory_space<vmem>>
      %dma_start3A_339 = arith.constant 0 : i32
      %dma_start3A_340 = tpu.memref_slice %arg3[%squeeze3A_327, %dma_start3A_339] : memref<1000000x64xf32, #tpu.memory_space<hbm>> -> memref<1x64xf32, #tpu.memory_space<hbm>>
      %dma_start3A_341 = tpu.memref_squeeze %dma_start3A_340 : memref<1x64xf32, #tpu.memory_space<hbm>> -> memref<64xf32, #tpu.memory_space<hbm>>
      tpu.enqueue_dma source(%dma_start3A_341 : memref<64xf32, #tpu.memory_space<hbm>>) target(%dma_start3A_338 : memref<64xf32, #tpu.memory_space<vmem>>) target_semaphore(%arg10 : memref<!tpu.dma_semaphore, #tpu.memory_space<semaphore_mem>>)
      %slice3A_342 = vector.extract_strided_slice %get3A_135 {offsets = [13], sizes = [1], strides = [1]} : vector<16xi32> to vector<1xi32>
      %squeeze3A_343 = vector.extract %slice3A_342[0] : i32 from vector<1xi32>
      %add3A_344 = arith.constant 13 : i32
      %add3A_345 = arith.addi %add3A_133, %add3A_344 : i32
      %dma_start3A_346 = arith.constant 0 : i32
      %dma_start3A_347 = tpu.memref_slice %arg6[%add3A_345, %dma_start3A_346] : memref<512x64xf32, #tpu.memory_space<vmem>> -> memref<1x64xf32, #tpu.memory_space<vmem>>
      %dma_start3A_348 = tpu.memref_squeeze %dma_start3A_347 : memref<1x64xf32, #tpu.memory_space<vmem>> -> memref<64xf32, #tpu.memory_space<vmem>>
      %dma_start3A_349 = arith.constant 0 : i32
      %dma_start3A_350 = tpu.memref_slice %arg3[%squeeze3A_343, %dma_start3A_349] : memref<1000000x64xf32, #tpu.memory_space<hbm>> -> memref<1x64xf32, #tpu.memory_space<hbm>>
      %dma_start3A_351 = tpu.memref_squeeze %dma_start3A_350 : memref<1x64xf32, #tpu.memory_space<hbm>> -> memref<64xf32, #tpu.memory_space<hbm>>
      %dma_start3A_352 = arith.constant 0 : i32
      %dma_start3A_353 = tpu.memref_slice %arg6[%add3A_345, %dma_start3A_352] : memref<512x64xf32, #tpu.memory_space<vmem>> -> memref<1x64xf32, #tpu.memory_space<vmem>>
      %dma_start3A_354 = tpu.memref_squeeze %dma_start3A_353 : memref<1x64xf32, #tpu.memory_space<vmem>> -> memref<64xf32, #tpu.memory_space<vmem>>
      %dma_start3A_355 = arith.constant 0 : i32
      %dma_start3A_356 = tpu.memref_slice %arg3[%squeeze3A_343, %dma_start3A_355] : memref<1000000x64xf32, #tpu.memory_space<hbm>> -> memref<1x64xf32, #tpu.memory_space<hbm>>
      %dma_start3A_357 = tpu.memref_squeeze %dma_start3A_356 : memref<1x64xf32, #tpu.memory_space<hbm>> -> memref<64xf32, #tpu.memory_space<hbm>>
      tpu.enqueue_dma source(%dma_start3A_357 : memref<64xf32, #tpu.memory_space<hbm>>) target(%dma_start3A_354 : memref<64xf32, #tpu.memory_space<vmem>>) target_semaphore(%arg10 : memref<!tpu.dma_semaphore, #tpu.memory_space<semaphore_mem>>)
      %slice3A_358 = vector.extract_strided_slice %get3A_135 {offsets = [14], sizes = [1], strides = [1]} : vector<16xi32> to vector<1xi32>
      %squeeze3A_359 = vector.extract %slice3A_358[0] : i32 from vector<1xi32>
      %add3A_360 = arith.constant 14 : i32
      %add3A_361 = arith.addi %add3A_133, %add3A_360 : i32
      %dma_start3A_362 = arith.constant 0 : i32
      %dma_start3A_363 = tpu.memref_slice %arg6[%add3A_361, %dma_start3A_362] : memref<512x64xf32, #tpu.memory_space<vmem>> -> memref<1x64xf32, #tpu.memory_space<vmem>>
      %dma_start3A_364 = tpu.memref_squeeze %dma_start3A_363 : memref<1x64xf32, #tpu.memory_space<vmem>> -> memref<64xf32, #tpu.memory_space<vmem>>
      %dma_start3A_365 = arith.constant 0 : i32
      %dma_start3A_366 = tpu.memref_slice %arg3[%squeeze3A_359, %dma_start3A_365] : memref<1000000x64xf32, #tpu.memory_space<hbm>> -> memref<1x64xf32, #tpu.memory_space<hbm>>
      %dma_start3A_367 = tpu.memref_squeeze %dma_start3A_366 : memref<1x64xf32, #tpu.memory_space<hbm>> -> memref<64xf32, #tpu.memory_space<hbm>>
      %dma_start3A_368 = arith.constant 0 : i32
      %dma_start3A_369 = tpu.memref_slice %arg6[%add3A_361, %dma_start3A_368] : memref<512x64xf32, #tpu.memory_space<vmem>> -> memref<1x64xf32, #tpu.memory_space<vmem>>
      %dma_start3A_370 = tpu.memref_squeeze %dma_start3A_369 : memref<1x64xf32, #tpu.memory_space<vmem>> -> memref<64xf32, #tpu.memory_space<vmem>>
      %dma_start3A_371 = arith.constant 0 : i32
      %dma_start3A_372 = tpu.memref_slice %arg3[%squeeze3A_359, %dma_start3A_371] : memref<1000000x64xf32, #tpu.memory_space<hbm>> -> memref<1x64xf32, #tpu.memory_space<hbm>>
      %dma_start3A_373 = tpu.memref_squeeze %dma_start3A_372 : memref<1x64xf32, #tpu.memory_space<hbm>> -> memref<64xf32, #tpu.memory_space<hbm>>
      tpu.enqueue_dma source(%dma_start3A_373 : memref<64xf32, #tpu.memory_space<hbm>>) target(%dma_start3A_370 : memref<64xf32, #tpu.memory_space<vmem>>) target_semaphore(%arg10 : memref<!tpu.dma_semaphore, #tpu.memory_space<semaphore_mem>>)
      %slice3A_374 = vector.extract_strided_slice %get3A_135 {offsets = [15], sizes = [1], strides = [1]} : vector<16xi32> to vector<1xi32>
      %squeeze3A_375 = vector.extract %slice3A_374[0] : i32 from vector<1xi32>
      %add3A_376 = arith.constant 15 : i32
      %add3A_377 = arith.addi %add3A_133, %add3A_376 : i32
      %dma_start3A_378 = arith.constant 0 : i32
      %dma_start3A_379 = tpu.memref_slice %arg6[%add3A_377, %dma_start3A_378] : memref<512x64xf32, #tpu.memory_space<vmem>> -> memref<1x64xf32, #tpu.memory_space<vmem>>
      %dma_start3A_380 = tpu.memref_squeeze %dma_start3A_379 : memref<1x64xf32, #tpu.memory_space<vmem>> -> memref<64xf32, #tpu.memory_space<vmem>>
      %dma_start3A_381 = arith.constant 0 : i32
      %dma_start3A_382 = tpu.memref_slice %arg3[%squeeze3A_375, %dma_start3A_381] : memref<1000000x64xf32, #tpu.memory_space<hbm>> -> memref<1x64xf32, #tpu.memory_space<hbm>>
      %dma_start3A_383 = tpu.memref_squeeze %dma_start3A_382 : memref<1x64xf32, #tpu.memory_space<hbm>> -> memref<64xf32, #tpu.memory_space<hbm>>
      %dma_start3A_384 = arith.constant 0 : i32
      %dma_start3A_385 = tpu.memref_slice %arg6[%add3A_377, %dma_start3A_384] : memref<512x64xf32, #tpu.memory_space<vmem>> -> memref<1x64xf32, #tpu.memory_space<vmem>>
      %dma_start3A_386 = tpu.memref_squeeze %dma_start3A_385 : memref<1x64xf32, #tpu.memory_space<vmem>> -> memref<64xf32, #tpu.memory_space<vmem>>
      %dma_start3A_387 = arith.constant 0 : i32
      %dma_start3A_388 = tpu.memref_slice %arg3[%squeeze3A_375, %dma_start3A_387] : memref<1000000x64xf32, #tpu.memory_space<hbm>> -> memref<1x64xf32, #tpu.memory_space<hbm>>
      %dma_start3A_389 = tpu.memref_squeeze %dma_start3A_388 : memref<1x64xf32, #tpu.memory_space<hbm>> -> memref<64xf32, #tpu.memory_space<hbm>>
      tpu.enqueue_dma source(%dma_start3A_389 : memref<64xf32, #tpu.memory_space<hbm>>) target(%dma_start3A_386 : memref<64xf32, #tpu.memory_space<vmem>>) target_semaphore(%arg10 : memref<!tpu.dma_semaphore, #tpu.memory_space<semaphore_mem>>)
      %scan3A_390 = arith.constant 0 : i32
      scf.yield %scan3A_390 : i32
    }
    %scan3A_29 = arith.constant 8 : i32
    %dma_wait3A = arith.constant 0 : i32
    %dma_wait3A_30 = arith.constant 0 : i32
    %dma_wait3A_31 = tpu.memref_slice %arg6[%dma_wait3A, %dma_wait3A_30] : memref<512x64xf32, #tpu.memory_space<vmem>> -> memref<128x64xf32, #tpu.memory_space<vmem>>
    %dma_wait3A_32 = arith.constant 0 : i32
    %dma_wait3A_33 = arith.constant 0 : i32
    %dma_wait3A_34 = tpu.memref_slice %arg3[%dma_wait3A_32, %dma_wait3A_33] : memref<1000000x64xf32, #tpu.memory_space<hbm>> -> memref<128x64xf32, #tpu.memory_space<hbm>>
    %dma_wait3A_35 = arith.constant 0 : i32
    %dma_wait3A_36 = arith.constant 0 : i32
    %dma_wait3A_37 = tpu.memref_slice %arg6[%dma_wait3A_35, %dma_wait3A_36] : memref<512x64xf32, #tpu.memory_space<vmem>> -> memref<128x64xf32, #tpu.memory_space<vmem>>
    %dma_wait3A_38 = arith.constant 0 : i32
    %dma_wait3A_39 = arith.constant 0 : i32
    %dma_wait3A_40 = tpu.memref_slice %arg3[%dma_wait3A_38, %dma_wait3A_39] : memref<1000000x64xf32, #tpu.memory_space<hbm>> -> memref<128x64xf32, #tpu.memory_space<hbm>>
    tpu.wait_dma2 semaphore(%arg7 : memref<!tpu.dma_semaphore, #tpu.memory_space<semaphore_mem>>) src(%dma_wait3A_40 : memref<128x64xf32, #tpu.memory_space<hbm>>) dst(%dma_wait3A_37 : memref<128x64xf32, #tpu.memory_space<vmem>>)
    %add3A_41 = arith.constant 0 : i32
    %add3A_42 = arith.addi %mul3A_2, %add3A_41 : i32
    %dma_start3A = arith.constant 0 : i32
    %dma_start3A_43 = arith.constant 0 : i32
    %dma_start3A_44 = tpu.memref_slice %arg6[%dma_start3A, %dma_start3A_43] : memref<512x64xf32, #tpu.memory_space<vmem>> -> memref<128x64xf32, #tpu.memory_space<vmem>>
    %dma_start3A_45 = arith.constant 0 : i32
    %dma_start3A_46 = tpu.memref_slice %arg4[%add3A_42, %dma_start3A_45] : memref<16384x64xf32, #tpu.memory_space<hbm>> -> memref<128x64xf32, #tpu.memory_space<hbm>>
    %dma_start3A_47 = arith.constant 0 : i32
    %dma_start3A_48 = tpu.memref_slice %arg4[%add3A_42, %dma_start3A_47] : memref<16384x64xf32, #tpu.memory_space<hbm>> -> memref<128x64xf32, #tpu.memory_space<hbm>>
    %dma_start3A_49 = arith.constant 0 : i32
    %dma_start3A_50 = arith.constant 0 : i32
    %dma_start3A_51 = tpu.memref_slice %arg6[%dma_start3A_49, %dma_start3A_50] : memref<512x64xf32, #tpu.memory_space<vmem>> -> memref<128x64xf32, #tpu.memory_space<vmem>>
    tpu.enqueue_dma source(%dma_start3A_51 : memref<128x64xf32, #tpu.memory_space<vmem>>) target(%dma_start3A_48 : memref<128x64xf32, #tpu.memory_space<hbm>>) target_semaphore(%arg11 : memref<!tpu.dma_semaphore, #tpu.memory_space<semaphore_mem>>)
    %dma_wait3A_52 = arith.constant 128 : i32
    %dma_wait3A_53 = arith.constant 0 : i32
    %dma_wait3A_54 = tpu.memref_slice %arg6[%dma_wait3A_52, %dma_wait3A_53] : memref<512x64xf32, #tpu.memory_space<vmem>> -> memref<128x64xf32, #tpu.memory_space<vmem>>
    %dma_wait3A_55 = arith.constant 0 : i32
    %dma_wait3A_56 = arith.constant 0 : i32
    %dma_wait3A_57 = tpu.memref_slice %arg3[%dma_wait3A_55, %dma_wait3A_56] : memref<1000000x64xf32, #tpu.memory_space<hbm>> -> memref<128x64xf32, #tpu.memory_space<hbm>>
    %dma_wait3A_58 = arith.constant 128 : i32
    %dma_wait3A_59 = arith.constant 0 : i32
    %dma_wait3A_60 = tpu.memref_slice %arg6[%dma_wait3A_58, %dma_wait3A_59] : memref<512x64xf32, #tpu.memory_space<vmem>> -> memref<128x64xf32, #tpu.memory_space<vmem>>
    %dma_wait3A_61 = arith.constant 0 : i32
    %dma_wait3A_62 = arith.constant 0 : i32
    %dma_wait3A_63 = tpu.memref_slice %arg3[%dma_wait3A_61, %dma_wait3A_62] : memref<1000000x64xf32, #tpu.memory_space<hbm>> -> memref<128x64xf32, #tpu.memory_space<hbm>>
    tpu.wait_dma2 semaphore(%arg8 : memref<!tpu.dma_semaphore, #tpu.memory_space<semaphore_mem>>) src(%dma_wait3A_63 : memref<128x64xf32, #tpu.memory_space<hbm>>) dst(%dma_wait3A_60 : memref<128x64xf32, #tpu.memory_space<vmem>>)
    %add3A_64 = arith.constant 128 : i32
    %add3A_65 = arith.addi %mul3A_2, %add3A_64 : i32
    %dma_start3A_66 = arith.constant 128 : i32
    %dma_start3A_67 = arith.constant 0 : i32
    %dma_start3A_68 = tpu.memref_slice %arg6[%dma_start3A_66, %dma_start3A_67] : memref<512x64xf32, #tpu.memory_space<vmem>> -> memref<128x64xf32, #tpu.memory_space<vmem>>
    %dma_start3A_69 = arith.constant 0 : i32
    %dma_start3A_70 = tpu.memref_slice %arg4[%add3A_65, %dma_start3A_69] : memref<16384x64xf32, #tpu.memory_space<hbm>> -> memref<128x64xf32, #tpu.memory_space<hbm>>
    %dma_start3A_71 = arith.constant 0 : i32
    %dma_start3A_72 = tpu.memref_slice %arg4[%add3A_65, %dma_start3A_71] : memref<16384x64xf32, #tpu.memory_space<hbm>> -> memref<128x64xf32, #tpu.memory_space<hbm>>
    %dma_start3A_73 = arith.constant 128 : i32
    %dma_start3A_74 = arith.constant 0 : i32
    %dma_start3A_75 = tpu.memref_slice %arg6[%dma_start3A_73, %dma_start3A_74] : memref<512x64xf32, #tpu.memory_space<vmem>> -> memref<128x64xf32, #tpu.memory_space<vmem>>
    tpu.enqueue_dma source(%dma_start3A_75 : memref<128x64xf32, #tpu.memory_space<vmem>>) target(%dma_start3A_72 : memref<128x64xf32, #tpu.memory_space<hbm>>) target_semaphore(%arg11 : memref<!tpu.dma_semaphore, #tpu.memory_space<semaphore_mem>>)
    %dma_wait3A_76 = arith.constant 256 : i32
    %dma_wait3A_77 = arith.constant 0 : i32
    %dma_wait3A_78 = tpu.memref_slice %arg6[%dma_wait3A_76, %dma_wait3A_77] : memref<512x64xf32, #tpu.memory_space<vmem>> -> memref<128x64xf32, #tpu.memory_space<vmem>>
    %dma_wait3A_79 = arith.constant 0 : i32
    %dma_wait3A_80 = arith.constant 0 : i32
    %dma_wait3A_81 = tpu.memref_slice %arg3[%dma_wait3A_79, %dma_wait3A_80] : memref<1000000x64xf32, #tpu.memory_space<hbm>> -> memref<128x64xf32, #tpu.memory_space<hbm>>
    %dma_wait3A_82 = arith.constant 256 : i32
    %dma_wait3A_83 = arith.constant 0 : i32
    %dma_wait3A_84 = tpu.memref_slice %arg6[%dma_wait3A_82, %dma_wait3A_83] : memref<512x64xf32, #tpu.memory_space<vmem>> -> memref<128x64xf32, #tpu.memory_space<vmem>>
    %dma_wait3A_85 = arith.constant 0 : i32
    %dma_wait3A_86 = arith.constant 0 : i32
    %dma_wait3A_87 = tpu.memref_slice %arg3[%dma_wait3A_85, %dma_wait3A_86] : memref<1000000x64xf32, #tpu.memory_space<hbm>> -> memref<128x64xf32, #tpu.memory_space<hbm>>
    tpu.wait_dma2 semaphore(%arg9 : memref<!tpu.dma_semaphore, #tpu.memory_space<semaphore_mem>>) src(%dma_wait3A_87 : memref<128x64xf32, #tpu.memory_space<hbm>>) dst(%dma_wait3A_84 : memref<128x64xf32, #tpu.memory_space<vmem>>)
    %add3A_88 = arith.constant 256 : i32
    %add3A_89 = arith.addi %mul3A_2, %add3A_88 : i32
    %dma_start3A_90 = arith.constant 256 : i32
    %dma_start3A_91 = arith.constant 0 : i32
    %dma_start3A_92 = tpu.memref_slice %arg6[%dma_start3A_90, %dma_start3A_91] : memref<512x64xf32, #tpu.memory_space<vmem>> -> memref<128x64xf32, #tpu.memory_space<vmem>>
    %dma_start3A_93 = arith.constant 0 : i32
    %dma_start3A_94 = tpu.memref_slice %arg4[%add3A_89, %dma_start3A_93] : memref<16384x64xf32, #tpu.memory_space<hbm>> -> memref<128x64xf32, #tpu.memory_space<hbm>>
    %dma_start3A_95 = arith.constant 0 : i32
    %dma_start3A_96 = tpu.memref_slice %arg4[%add3A_89, %dma_start3A_95] : memref<16384x64xf32, #tpu.memory_space<hbm>> -> memref<128x64xf32, #tpu.memory_space<hbm>>
    %dma_start3A_97 = arith.constant 256 : i32
    %dma_start3A_98 = arith.constant 0 : i32
    %dma_start3A_99 = tpu.memref_slice %arg6[%dma_start3A_97, %dma_start3A_98] : memref<512x64xf32, #tpu.memory_space<vmem>> -> memref<128x64xf32, #tpu.memory_space<vmem>>
    tpu.enqueue_dma source(%dma_start3A_99 : memref<128x64xf32, #tpu.memory_space<vmem>>) target(%dma_start3A_96 : memref<128x64xf32, #tpu.memory_space<hbm>>) target_semaphore(%arg11 : memref<!tpu.dma_semaphore, #tpu.memory_space<semaphore_mem>>)
    %dma_wait3A_100 = arith.constant 384 : i32
    %dma_wait3A_101 = arith.constant 0 : i32
    %dma_wait3A_102 = tpu.memref_slice %arg6[%dma_wait3A_100, %dma_wait3A_101] : memref<512x64xf32, #tpu.memory_space<vmem>> -> memref<128x64xf32, #tpu.memory_space<vmem>>
    %dma_wait3A_103 = arith.constant 0 : i32
    %dma_wait3A_104 = arith.constant 0 : i32
    %dma_wait3A_105 = tpu.memref_slice %arg3[%dma_wait3A_103, %dma_wait3A_104] : memref<1000000x64xf32, #tpu.memory_space<hbm>> -> memref<128x64xf32, #tpu.memory_space<hbm>>
    %dma_wait3A_106 = arith.constant 384 : i32
    %dma_wait3A_107 = arith.constant 0 : i32
    %dma_wait3A_108 = tpu.memref_slice %arg6[%dma_wait3A_106, %dma_wait3A_107] : memref<512x64xf32, #tpu.memory_space<vmem>> -> memref<128x64xf32, #tpu.memory_space<vmem>>
    %dma_wait3A_109 = arith.constant 0 : i32
    %dma_wait3A_110 = arith.constant 0 : i32
    %dma_wait3A_111 = tpu.memref_slice %arg3[%dma_wait3A_109, %dma_wait3A_110] : memref<1000000x64xf32, #tpu.memory_space<hbm>> -> memref<128x64xf32, #tpu.memory_space<hbm>>
    tpu.wait_dma2 semaphore(%arg10 : memref<!tpu.dma_semaphore, #tpu.memory_space<semaphore_mem>>) src(%dma_wait3A_111 : memref<128x64xf32, #tpu.memory_space<hbm>>) dst(%dma_wait3A_108 : memref<128x64xf32, #tpu.memory_space<vmem>>)
    %add3A_112 = arith.constant 384 : i32
    %add3A_113 = arith.addi %mul3A_2, %add3A_112 : i32
    %dma_start3A_114 = arith.constant 384 : i32
    %dma_start3A_115 = arith.constant 0 : i32
    %dma_start3A_116 = tpu.memref_slice %arg6[%dma_start3A_114, %dma_start3A_115] : memref<512x64xf32, #tpu.memory_space<vmem>> -> memref<128x64xf32, #tpu.memory_space<vmem>>
    %dma_start3A_117 = arith.constant 0 : i32
    %dma_start3A_118 = tpu.memref_slice %arg4[%add3A_113, %dma_start3A_117] : memref<16384x64xf32, #tpu.memory_space<hbm>> -> memref<128x64xf32, #tpu.memory_space<hbm>>
    %dma_start3A_119 = arith.constant 0 : i32
    %dma_start3A_120 = tpu.memref_slice %arg4[%add3A_113, %dma_start3A_119] : memref<16384x64xf32, #tpu.memory_space<hbm>> -> memref<128x64xf32, #tpu.memory_space<hbm>>
    %dma_start3A_121 = arith.constant 384 : i32
    %dma_start3A_122 = arith.constant 0 : i32
    %dma_start3A_123 = tpu.memref_slice %arg6[%dma_start3A_121, %dma_start3A_122] : memref<512x64xf32, #tpu.memory_space<vmem>> -> memref<128x64xf32, #tpu.memory_space<vmem>>
    tpu.enqueue_dma source(%dma_start3A_123 : memref<128x64xf32, #tpu.memory_space<vmem>>) target(%dma_start3A_120 : memref<128x64xf32, #tpu.memory_space<hbm>>) target_semaphore(%arg11 : memref<!tpu.dma_semaphore, #tpu.memory_space<semaphore_mem>>)
    %dma_wait3A_124 = arith.constant 0 : i32
    %dma_wait3A_125 = tpu.memref_slice %arg4[%mul3A_2, %dma_wait3A_124] : memref<16384x64xf32, #tpu.memory_space<hbm>> -> memref<512x64xf32, #tpu.memory_space<hbm>>
    %dma_wait3A_126 = arith.constant 0 : i32
    %dma_wait3A_127 = tpu.memref_slice %arg4[%mul3A_2, %dma_wait3A_126] : memref<16384x64xf32, #tpu.memory_space<hbm>> -> memref<512x64xf32, #tpu.memory_space<hbm>>
    tpu.wait_dma2 semaphore(%arg11 : memref<!tpu.dma_semaphore, #tpu.memory_space<semaphore_mem>>) src(%arg6 : memref<512x64xf32, #tpu.memory_space<vmem>>) dst(%dma_wait3A_127 : memref<512x64xf32, #tpu.memory_space<hbm>>)
    return
  }
}

</mosaic_0001>

<sc_bundles>
// kernel: kernel.3.cloned.1.call-start
scs
__scs_entry_jumppad:
0x0: {  	(pc) =	sbr.rel $0x88, $3  }
0x1: {  	(tag) =	ssettag $0x0;
	lr =	simm.s32 $0x1  }
0x2: {  	[smem:$0x3F9F] =	sst lr;
	_ =	strace $0xD0000000  }
0x3: {  	_ = 	snop  }
0x4: {  	_ = 	snop  }
0x5: {  	_ = 	snop  }
0x6: {  	_ = 	snop  }
0x7: {  	_ = 	snop  }
__scs_overlays_trampoline_lowered:
0x8: {  	[smem:$0x3FAE] =	sst s0  }
0x9: {  	[smem:$0x3FAF] =	sst s1  }
0xa: {  	[smem:$0x3FB0] =	sst s2  }
0xb: {  	[smem:$0x3FB1] =	sst s3  }
0xc: {  	[smem:$0x3FB2] =	sst s4  }
0xd: {  	[smem:$0x3FB3] =	sst s5  }
0xe: {  	[smem:$0x3FB4] =	sst s6  }
0xf: {  	[smem:$0x3FB5] =	sst s7  }
0x10: {  	[smem:$0x3FB6] =	sst s8  }
0x11: {  	[smem:$0x3FB7] =	sst s9;
	s0 =	simm.s32 @!p0 $0x0  }
0x12: {  	s1 =	sld [smem:$0x3F9D];
	s0 =	simm.s32 @p0 $0x1  }
0x13: {  	[smem:$0x3FB8] =	sst s0;
	s0 =	simm.s32 @!p1 $0x0  }
0x14: {  	s2 =	sld [smem:$0x3F9C];
	s0 =	simm.s32 @p1 $0x1  }
0x15: {  	[smem:$0x3FB9] =	sst s0;
	s0 =	simm.s32 @!p2 $0x0  }
0x16: {  	s3 =	sld [smem:$0x3FDB];
	s0 =	simm.s32 @p2 $0x1  }
0x17: {  	s4 =	simm.s32 $0x1BF5;
	[smem:$0x3FBB] =	sst s0  }
0x18: {  	s0 =	sld [smem:$0x3F9E];
	_ =	swait.ge [sflag:s4], $0x0  }
0x19: {  	s7 =	sld [smem:$0x3F9F]  }
0x1a: {  	s8 =	sadd.s32 $0xFFFFE003, lr  }
0x1b: {  	s9 =	sadd.s32 $0xFFFFFEF7, lr;
	s5 =	simm.s32 $0xFFFFFFFF;
	p2 =	slt.u32 s8, $0xFFFFF086  }
0x1c: {  	p1 =	slt.u32 s9, $0xF7A;
	s5 =	simm.s32 @!p2 $0x0  }
0x1d: {  	s5 =	simm.s32 @p1 $0x1;
	p0 =	seq.s32 s7, s2  }
0x1e: {  	s7 =	smul.u32 @!p0 $0xF7A, s2;
	p2 =	seq.s32 @!p0 s5, $0x0  }
0x1f: {  	s9 =	smul.u32 $0xF7A, s1;
	s8 =	simm.s32 @!p0 $0x1BF5;
	p2 =	por !p2, p0  }
0x20: {  	[sflag:s8] =	ssyncset.s32 @!p0 $0xFFFFF086;
	s6 =	sadd.s32 @!p0 s3, s7;
	s7 =	simm.s32 @!p0 $0x108  }
0x21: {  	s3 =	sadd.s32 s3, s9;
	s6 =	sadd.s32 @!p0 $0x88, s6;
	s7 =	simm.s32 @p2 $0x1082  }
0x22: {  	[simem:s7], [sflag:s8] =	dma.local @!p0 [hbm:s6], $0xF7A  }
0x23: {  	s9 =	sor.u32 $0xD0000000, s2;
	s6 =	simm.s32 $0x108;
	_ =	swait.ge @!p0 [sflag:s8], $0x0  }
0x24: {  	s3 =	sadd.s32 $0x88, s3;
	s6 =	simm.s32 @!p1 $0x1082;
	[sflag:s4] =	ssyncset.s32 $0xFFFFF086  }
0x25: {  	[simem:s6], [sflag:s4] =	dma.local [hbm:s3], $0xF7A  }
0x26: {  	[smem:$0x3F9F] =	sst s1;
	(tag) =	ssettag s2;
	_ =	strace s9  }
0x27: {  	s1 =	sld [smem:$0x3FAF]  }
0x28: {  	s2 =	sld [smem:$0x3FB0]  }
0x29: {  	s4 =	sld [smem:$0x3FB2]  }
0x2a: {  	p0 =	seq.s32 s5, $0x0;
	s5 =	sld [smem:$0x3FB3]  }
0x2b: {  	s6 =	sld [smem:$0x3FB4]  }
0x2c: {  	s7 =	sld [smem:$0x3FB5]  }
0x2d: {  	s3 =	simm.s32 $0x108;
	s8 =	sld [smem:$0x3FB6]  }
0x2e: {  	s3 =	simm.s32 @!p0 $0x1082;
	s9 =	sld [smem:$0x3FB7]  }
0x2f: {  	lr =	sadd.s32 s0, s3;
	s0 =	sld [smem:$0x3FAE]  }
0x30: {  	s3 =	sld [smem:$0x3FB1]  }
0x31: {  	[smem:$0x3FBA] =	sst s10  }
0x32: {  	s10 =	sld [smem:$0x3FB8];
	_ =	sdelay $0x3  }
0x33: {  	p0 =	seq.s32 s10, $0x1;
	s10 =	sld [smem:$0x3FBA];
	_ =	sdelay $0x3  }
0x34: {  	[smem:$0x3FBA] =	sst s10  }
0x35: {  	s10 =	sld [smem:$0x3FB9];
	_ =	sdelay $0x3  }
0x36: {  	p1 =	seq.s32 s10, $0x1;
	s10 =	sld [smem:$0x3FBA];
	_ =	sdelay $0x3  }
0x37: {  	[smem:$0x3FBA] =	sst s10  }
0x38: {  	s10 =	sld [smem:$0x3FBB]  }
0x39: {  	_ = 	snop;
	(pc) =	sbr.ind lr, $3  }
0x3a: {  	_ = 	snop  }
0x3b: {  	_ = 	snop  }
0x3c: {  	p2 =	seq.s32 s10, $0x1;
	s10 =	sld [smem:$0x3FBA]  }
0x3d: {  	_ =	shalt  }
0x3e: {  	_ =	shalt  }
0x3f: {  	_ =	shalt  }
0x40: {  	_ =	shalt  }
0x41: {  	_ =	shalt  }
0x42: {  	_ =	shalt  }
0x43: {  	_ =	shalt  }
0x44: {  	_ =	shalt  }
0x45: {  	_ =	shalt  }
0x46: {  	_ =	shalt  }
0x47: {  	_ =	shalt  }
0x48: {  	_ =	shalt  }
0x49: {  	_ =	shalt  }
0x4a: {  	_ =	shalt  }
0x4b: {  	_ =	shalt  }
0x4c: {  	_ =	shalt  }
0x4d: {  	_ =	shalt  }
0x4e: {  	_ =	shalt  }
0x4f: {  	_ =	shalt  }
0x50: {  	_ =	shalt  }
0x51: {  	_ =	shalt  }
0x52: {  	_ =	shalt  }
0x53: {  	_ =	shalt  }
0x54: {  	_ =	shalt  }
0x55: {  	_ =	shalt  }
0x56: {  	_ =	shalt  }
0x57: {  	_ =	shalt  }
0x58: {  	_ =	shalt  }
0x59: {  	_ =	shalt  }
0x5a: {  	_ =	shalt  }
0x5b: {  	_ =	shalt  }
0x5c: {  	_ =	shalt  }
0x5d: {  	_ =	shalt  }
0x5e: {  	_ =	shalt  }
0x5f: {  	_ =	shalt  }
0x60: {  	_ =	shalt  }
0x61: {  	_ =	shalt  }
0x62: {  	_ =	shalt  }
0x63: {  	_ =	shalt  }
0x64: {  	_ =	shalt  }
0x65: {  	_ =	shalt  }
0x66: {  	_ =	shalt  }
0x67: {  	_ =	shalt  }
0x68: {  	_ =	shalt  }
0x69: {  	_ =	shalt  }
0x6a: {  	_ =	shalt  }
0x6b: {  	_ =	shalt  }
0x6c: {  	_ =	shalt  }
0x6d: {  	_ =	shalt  }
0x6e: {  	_ =	shalt  }
0x6f: {  	_ =	shalt  }
0x70: {  	_ =	shalt  }
0x71: {  	_ =	shalt  }
0x72: {  	_ =	shalt  }
0x73: {  	_ =	shalt  }
0x74: {  	_ =	shalt  }
0x75: {  	_ =	shalt  }
0x76: {  	_ =	shalt  }
0x77: {  	_ =	shalt  }
0x78: {  	_ =	shalt  }
0x79: {  	_ =	shalt  }
0x7a: {  	_ =	shalt  }
0x7b: {  	_ =	shalt  }
0x7c: {  	_ =	shalt  }
0x7d: {  	_ =	shalt  }
0x7e: {  	_ =	shalt  }
0x7f: {  	_ =	shalt  }
0x80: {  	_ =	shalt  }
0x81: {  	_ =	shalt  }
0x82: {  	_ =	shalt  }
0x83: {  	_ =	shalt  }
0x84: {  	_ =	shalt  }
0x85: {  	_ =	shalt  }
0x86: {  	_ =	shalt  }
0x87: {  	_ =	shalt  }
.Lfunc_end0:
.L_simem_size_0:
called_computation_lowered:
.L_overlay_start_0:
0x88: {  	s2 =	sld [smem:$0x3FD9]  }
0x89: {  	s3 =	sld [smem:$0x3FFE];
	_ =	sdelay $0x1  }
0x8a: {  	s1 =	srdreg.scid  }
0x8b: {  	s0 =	sand.u32 $0x1, s1  }
0x8c: {  	s17 =	sshll.u32 s0, $0xA;
	s2 =	sadd.s32 s3, s2  }
0x8d: {  	s2 =	sadd.s32 s2, s17  }
0x8e: {  	[smem:$0x3FC6] =	sst s2  }
0x8f: {  	_ = 	snop  }
0x90: {  	s2 =	sld [smem:$0x3FC9];
	(tm) =	ssettm $0x1  }
0x91: {  	s18 =	sld [smem:$0x3FFB];
	_ =	sdelay $0x3  }
0x92: {  	_ =	strace s18  }
0x93: {  	s3 =	sld [smem:$0x3FFC];
	_ =	sdelay $0x3  }
0x94: {  	_ =	strace s3  }
0x95: {  	s3 =	sld [smem:$0x3FFD];
	_ =	sdelay $0x3  }
0x96: {  	_ =	strace s3  }
0x97: {  	_ =	strace $0x8FFFFFFF  }
0x98: {  	s19 =	sld [smem:$0x3FDB];
	_ =	sdelay $0x1  }
0x99: {  	s4 =	simm.s32 $_scs_section_size  }
0x9a: {  	s5 =	simm.s32 $_size__tile_overlayer_lowered;
	s6 =	simm.s32 $_tile_overlayer_lowered  }
0x9b: {  	s22 =	simm.s32 $0x1BFF;
	s21 =	sshll.u32 s6, $0x1;
	s3 =	sadd.s32 s4, s19  }
0x9c: {  	s7 =	simm.s32 $0x0;
	s20 =	sshll.u32 s5, $0x1;
	s5 =	sadd.s32 s21, s3  }
0x9d: {  	[timem:s7], [sflag:s22] =	dma.local [hbm:s5], s20  }
0x9e: {  	_ =	swait.ge [sflag:s22], s20  }
0x9f: {  	s4 =	ssub.s32 $0x0, s20;
	[sflag:s22] =	ssyncset.done $0x0  }
0xa0: {  	[sflag:s22] =	ssyncadd.s32 s4;
	_ =	sdelay $0x1  }
0xa1: {  	s23 =	simm.s32 $0x1B8B  }
0xa2: {  	_ =	swait.ge [sflag:s23], $0x1  }
0xa3: {  	[sflag:s23] =	ssyncset.done $0x0  }
0xa4: {  	s25 =	simm.s32 $0x1B8E;
	s24 =	sld [smem:$0x3FFE];
	[sflag:s23] =	ssyncadd.s32 $0xFFFFFFFF  }
0xa5: {  	s26 =	simm.s32 $execute0_lowered;
	[smem:$0x3FD2] =	sst s25  }
0xa6: {  	s5 =	sshll.u32 s26, $0x1;
	_ =	strace $0x80000046;
	[dreg:$0x1] =	wrdreg $0xFFFFFFFF  }
0xa7: {  	s28 =	simm.s32 $_size_execute0_lowered;
	s3 =	sadd.s32 s3, s5;
	[dreg:$0x0] =	wrdreg $0x0  }
0xa8: {  	s5 =	sshll.u32 s28, $0x1;
	[dreg:$0x2] =	wrdreg s3  }
0xa9: {  	[dreg:$0x3] =	wrdreg s5  }
0xaa: {  	[dreg:$0x4] =	wrdreg $0xC0  }
0xab: {  	_ =	task [dreg:s7], $0x5FFFF  }
0xac: {  	[dreg:$0x1] =	wrdreg $0xFFFFFFFF  }
0xad: {  	[dreg:$0x0] =	wrdreg $0x60  }
0xae: {  	[dreg:$0x2] =	wrdreg s2  }
0xaf: {  	[dreg:$0x3] =	wrdreg s24  }
0xb0: {  	[dreg:$0x4] =	wrdreg $0x9  }
0xb1: {  	_ =	task.clear_ibuf [dreg:s7], $0x5FFFF;
	_ =	strace $0x90000046  }
0xb2: {  	s29 =	simm.s32 $0x9;
	_ =	strace $0x80000048  }
0xb3: {  	_ =	swait.ge [sflag:s29], $0x1  }
0xb4: {  	[sflag:s29] =	ssyncadd.s32 $0xFFFFFFFF  }
0xb5: {  	_ =	strace $0x90000048  }
0xb6: {  	_ =	sfence  }
0xb7: {  	s30 =	sld [smem:$0x0];
	_ =	sdelay $0x2  }
0xb8: {  	s31 =	sshll.u32 s1, $0xD;
	s1 =	sshrl.u32 s1, $0x2  }
0xb9: {  	s3 =	sand.u32 $0x4000, s31;
	s1 =	sadd.s32 s1, s30  }
0xba: {  	s0 =	sor.u32 s3, s0;
	s1 =	sshll.u32 s1, $0x11  }
0xbb: {  	s0 =	sor.u32 s1, s0  }
0xbc: {  	s0 =	sadd.s32 $0x8F2B, s0  }
0xbd: {  	[sflag:s0] =	ssyncadd.remote.s32 $0x1  }
0xbe: {  	_ =	sfence.sel $0xFFFF  }
0xbf: {  	[dreg:$0x0] =	wrdreg $0xFFFFFFFF;
	(pc) =	sbr.abs _section_cstart, $3  }
0xc0: {  	[dreg:$0x1] =	wrdreg $0xFFFFFFFF  }
0xc1: {  	_ =	task.clear_ibuf [dreg:s7], $0x2FFFF;
	_ =	strace $0x9FFFFFFF  }
0xc2: {  	(tm) =	ssettm $0x7FFFFFFF  }
0xc3: {  	_ =	shalt  }
tec
execute0_lowered:
.L_overlay_start_1:
0x0: {  	(tag) =	ssettag $0x1  }
0x1: {  	s0 =	rddreg [dreg:$0x0]  }
0x2: {  	s1 =	rddreg [dreg:$0x1];
	s3 =	srdreg.scid  }
0x3: {  	s2 =	simm.s32 $0x0;
	s5 =	stileid.u32;
	s10 =	simm.s32 $0x6  }
0x4: {  	s11 =	simm.s32 $0x1;
	s13 =	simm.s32 $0x2;
	s4 =	sand.u32 $0x1, s3  }
0x5: {  	s15 =	simm.s32 $0x3;
	s24 =	sshll.u32 s5, $0xA;
	s25 =	sshll.u32 s4, $0x9  }
0x6: {  	s17 =	simm.s32 $0x4;
	s19 =	simm.s32 $0x5;
	s5 =	sor.u32 s25, s24  }
0x7: {  	[smem:$0x7FF] =	sst s2;
	s6 =	sshll.u32 s5, $0x4;
	s5 =	sshrl.u32 s5, $0x3  }
0x8: {  	s3 =	sadd.s32 $0x400, s1;
	s1 =	sadd.s32 s6, s1;
	s0 =	sadd.s32 s0, s5  }
0x9: {  	_ =	strace $0x80000047;
	[dreg:$0x3] =	wrdreg s0;
	s28 =	sadd.s32 $0xF42800, s1  }
0xa: {  	s4 =	ssub.s32 $0x2, s4;
	s29 =	sadd.s32 $0xF43000, s1;
	[dreg:$0x4] =	wrdreg s28  }
0xb: {  	s26 =	sshrl.u32 s4, $0x1;
	s30 =	sadd.s32 $0xF43800, s1;
	[dreg:$0x5] =	wrdreg s29  }
0xc: {  	s9 =	ssub.s32 s4, s26;
	s31 =	sadd.s32 $0xF44000, s1;
	[dreg:$0x6] =	wrdreg s30  }
0xd: {  	s20 =	simm.s32 $0x0;
	s9 =	smax.u32 s9, $0x1;
	[dreg:$0x7] =	wrdreg s31  }
.LBB2_1:
0xe: {  	s0 =	rddreg [dreg:$0x3]  }
0xf: {  	[tilespmem:s2], [sflag:$0x6] =	stream.linear.gather [hbm4b:s0+s2], $0x200, $0x38;
	[tilespmem:$0x10200] =	vst v63  }
0x10: {  	_ =	swait.ge [sflag:s10], $0x200  }
0x11: {  	[sflag:s10] =	ssyncset.done $0x0  }
0x12: {  	[sflag:s10] =	ssyncadd.s32 $0xFFFFFE00  }
0x13: {  	v0 =	vld [tilespmem:s2+$0x0];
	_ =	sdelay $0x4  }
0x14: {  	v0 =	vshll.u32 v0, $0x4  }
0x15: {  	(v2sf) =	vpush v0, $0x0  }
0x16: {  	(v2sf) =	vpush v0, $0x1  }
0x17: {  	(v2sf) =	vpush v0, $0x2;
	_ =	sdelay $0x1  }
0x18: {  	(v2sf) =	vpush v0, $0x4;
	_ =	sdelay $0x1  }
0x19: {  	(v2sf) =	vpush v0, $0x3  }
0x1a: {  	(v2sf) =	vpush v0, $0x5  }
0x1b: {  	s23 =	simm.s32 $0x2000;
	s22 =	simm.s32 $0x0;
	s24 =	simm.s32 $0x0;
	(v2sf) =	vpush v0, $0x6  }
.LBB2_2:
0x1c: {  	p0 =	sne.s32 s23, $0xE000  }
0x1d: {  	s14 =	sadd.s32 $0x280, s22;
	s29 =	sadd.s32 $0x780, s22;
	s25 =	smov.u32 s23  }
0x1e: {  	s23 =	sadd.s32 $0x2000, s23;
	s0 =	sadd.s32 $0x580, s22;
	s26 =	sadd.s32 $0x800, s22;
	(v2sf) =	vpush v0, $0x7  }
0x1f: {  	s12 =	sadd.s32 $0x480, s22;
	s30 =	sadd.s32 $0x600, s22;
	s28 =	sadd.s32 $0x880, s22  }
0x20: {  	s16 =	sadd.s32 $0x200, s22;
	s18 =	sadd.s32 $0x400, s22;
	(v2sf) =	vpush v0, $0x8  }
0x21: {  	s21 =	simm.s32 $0x0;
	s4 =	sadd.s32 $0x500, s22;
	s24 =	sadd.s32 $0x10, s24  }
0x22: {  	s5 =	sadd.s32 $0x300, s22;
	s31 =	sadd.s32 $0x700, s22;
	s1 =	spop (v2sf);
	(v2sf) =	vpush v0, $0x9  }
0x23: {  	s6 =	sand.u32 $0x1FFFFFF0, s1;
	s1 =	sadd.s32 $0x680, s22;
	s7 =	spop (v2sf)  }
0x24: {  	s6 =	sadd.s32 s3, s6;
	s7 =	sand.u32 $0x1FFFFFF0, s7;
	s8 =	spop (v2sf);
	(v2sf) =	vpush v0, $0xA  }
0x25: {  	[tilespmem:s16], [sflag:$0x1] =	stream.linear.gather [hbm4b:s6+s21], $0x80, $0x38;
	[tilespmem:$0x10200] =	vst v63  }
0x26: {  	s6 =	sadd.s32 s3, s7;
	s7 =	sadd.s32 $0x380, s22;
	s16 =	spop (v2sf);
	(v2sf) =	vpush v0, $0xB  }
0x27: {  	[tilespmem:s14], [sflag:$0x1] =	stream.linear.gather [hbm4b:s6+s21], $0x80, $0x38;
	[tilespmem:$0x10200] =	vst v63  }
0x28: {  	s6 =	sand.u32 $0x1FFFFFF0, s8;
	s8 =	sand.u32 $0x1FFFFFF0, s16;
	s14 =	spop (v2sf);
	(v2sf) =	vpush v0, $0xC  }
0x29: {  	s6 =	sadd.s32 s3, s6;
	s14 =	sand.u32 $0x1FFFFFF0, s14;
	s16 =	spop (v2sf)  }
0x2a: {  	[tilespmem:s5], [sflag:$0x1] =	stream.linear.gather [hbm4b:s6+s21], $0x80, $0x38;
	(v2sf) =	vpush v0, $0xD;
	[tilespmem:$0x10200] =	vst v63  }
0x2b: {  	s5 =	sadd.s32 s3, s14;
	s6 =	sand.u32 $0x1FFFFFF0, s16;
	s14 =	spop (v2sf)  }
0x2c: {  	[tilespmem:s7], [sflag:$0x1] =	stream.linear.gather [hbm4b:s5+s21], $0x80, $0x38;
	(v2sf) =	vpush v0, $0xE;
	[tilespmem:$0x10200] =	vst v63  }
0x2d: {  	s5 =	sadd.s32 s3, s8;
	s7 =	sand.u32 $0x1FFFFFF0, s14;
	s8 =	spop (v2sf)  }
0x2e: {  	[tilespmem:s18], [sflag:$0x1] =	stream.linear.gather [hbm4b:s5+s21], $0x80, $0x38;
	(v2sf) =	vpush v0, $0xF;
	[tilespmem:$0x10200] =	vst v63  }
0x2f: {  	s5 =	sadd.s32 s3, s6;
	s6 =	sand.u32 $0x1FFFFFF0, s8;
	s8 =	spop (v2sf)  }
0x30: {  	[tilespmem:s12], [sflag:$0x1] =	stream.linear.gather [hbm4b:s5+s21], $0x80, $0x38;
	[tilespmem:$0x10200] =	vst v63  }
0x31: {  	s5 =	sadd.s32 s3, s7;
	s7 =	sand.u32 $0x1FFFFFF0, s8;
	s8 =	spop (v2sf)  }
0x32: {  	[tilespmem:s4], [sflag:$0x1] =	stream.linear.gather [hbm4b:s5+s21], $0x80, $0x38;
	[tilespmem:$0x10200] =	vst v63  }
0x33: {  	s4 =	sadd.s32 s3, s6;
	s5 =	sand.u32 $0x1FFFFFF0, s8;
	s6 =	spop (v2sf)  }
0x34: {  	[tilespmem:s0], [sflag:$0x1] =	stream.linear.gather [hbm4b:s4+s21], $0x80, $0x38;
	[tilespmem:$0x10200] =	vst v63  }
0x35: {  	s0 =	sadd.s32 s3, s7;
	s4 =	sand.u32 $0x1FFFFFF0, s6;
	s6 =	spop (v2sf)  }
0x36: {  	[tilespmem:s30], [sflag:$0x1] =	stream.linear.gather [hbm4b:s0+s21], $0x80, $0x38;
	[tilespmem:$0x10200] =	vst v63  }
0x37: {  	s0 =	sadd.s32 s3, s5;
	s5 =	sand.u32 $0x1FFFFFF0, s6;
	s6 =	spop (v2sf)  }
0x38: {  	[tilespmem:s1], [sflag:$0x1] =	stream.linear.gather [hbm4b:s0+s21], $0x80, $0x38;
	[tilespmem:$0x10200] =	vst v63  }
0x39: {  	s0 =	sadd.s32 s3, s4;
	s1 =	sand.u32 $0x1FFFFFF0, s6;
	s4 =	spop (v2sf)  }
0x3a: {  	[tilespmem:s31], [sflag:$0x1] =	stream.linear.gather [hbm4b:s0+s21], $0x80, $0x38;
	[tilespmem:$0x10200] =	vst v63  }
0x3b: {  	s0 =	sadd.s32 s3, s5;
	s4 =	sand.u32 $0x1FFFFFF0, s4;
	s5 =	spop (v2sf)  }
0x3c: {  	[tilespmem:s29], [sflag:$0x1] =	stream.linear.gather [hbm4b:s0+s21], $0x80, $0x38;
	[tilespmem:$0x10200] =	vst v63  }
0x3d: {  	s0 =	sadd.s32 s3, s1;
	s1 =	sand.u32 $0x1FFFFFF0, s5;
	s5 =	spop (v2sf)  }
0x3e: {  	[tilespmem:s26], [sflag:$0x1] =	stream.linear.gather [hbm4b:s0+s21], $0x80, $0x38;
	[tilespmem:$0x10200] =	vst v63  }
0x3f: {  	s0 =	sadd.s32 s3, s4;
	s4 =	sand.u32 $0x1FFFFFF0, s5  }
0x40: {  	[tilespmem:s28], [sflag:$0x1] =	stream.linear.gather [hbm4b:s0+s21], $0x80, $0x38;
	[tilespmem:$0x10200] =	vst v63  }
0x41: {  	s1 =	sadd.s32 s3, s1;
	s0 =	sadd.s32 $0x900, s22  }
0x42: {  	[tilespmem:s0], [sflag:$0x1] =	stream.linear.gather [hbm4b:s1+s21], $0x80, $0x38;
	[tilespmem:$0x10200] =	vst v63  }
0x43: {  	s0 =	sadd.s32 $0x980, s22;
	s1 =	sadd.s32 s3, s4  }
0x44: {  	[tilespmem:s0], [sflag:$0x1] =	stream.linear.gather [hbm4b:s1+s21], $0x80, $0x38;
	[tilespmem:$0x10200] =	vst v63  }
0x45: {  	v0 =	vld [tilespmem:s24+$0x0];
	_ =	sdelay $0x4  }
0x46: {  	v0 =	vshll.u32 v0, $0x4  }
0x47: {  	(v2sf) =	vpush v0, $0x0  }
0x48: {  	(v2sf) =	vpush v0, $0x1  }
0x49: {  	(v2sf) =	vpush v0, $0x2;
	_ =	sdelay $0x1  }
0x4a: {  	(v2sf) =	vpush v0, $0x4  }
.Ltmp0:
0x4b: {  	(pc) =	sbr.rel @p0 .LBB2_2-.Ltmp0, $3  }
0x4c: {  	(v2sf) =	vpush v0, $0x3  }
0x4d: {  	(v2sf) =	vpush v0, $0x5;
	_ =	sdelay $0x1  }
0x4e: {  	s22 =	sshra.s32 s25, $0x2;
	(v2sf) =	vpush v0, $0x6  }
0x4f: {  	_ =	sdelay $0x1  }
0x50: {  	s1 =	sadd.s32 $0x280, s22;
	s24 =	sadd.s32 $0x780, s22  }
0x51: {  	s4 =	sadd.s32 $0x580, s22;
	s0 =	sadd.s32 $0x800, s22;
	(v2sf) =	vpush v0, $0x7;
	s5 =	sadd.s32 $0x480, s22  }
0x52: {  	s6 =	sadd.s32 $0x600, s22;
	s23 =	sadd.s32 $0x880, s22;
	s7 =	sadd.s32 $0x200, s22  }
0x53: {  	s8 =	sadd.s32 $0x400, s22;
	s12 =	sadd.s32 $0x500, s22;
	(v2sf) =	vpush v0, $0x8;
	s14 =	spop (v2sf)  }
0x54: {  	s16 =	sadd.s32 $0x300, s22;
	s14 =	sand.u32 $0x1FFFFFF0, s14;
	s18 =	spop (v2sf)  }
0x55: {  	(v2sf) =	vpush v0, $0x9;
	s14 =	sadd.s32 s3, s14;
	s18 =	sand.u32 $0x1FFFFFF0, s18;
	s25 =	spop (v2sf)  }
0x56: {  	[tilespmem:s7], [sflag:$0x1] =	stream.linear.gather [hbm4b:s14+s21], $0x80, $0x38;
	[tilespmem:$0x10200] =	vst v63  }
0x57: {  	(v2sf) =	vpush v0, $0xA;
	s26 =	sadd.s32 s3, s18;
	s29 =	sand.u32 $0x1FFFFFF0, s25;
	s28 =	spop (v2sf)  }
0x58: {  	[tilespmem:s1], [sflag:$0x1] =	stream.linear.gather [hbm4b:s26+s21], $0x80, $0x38;
	[tilespmem:$0x10200] =	vst v63  }
0x59: {  	s7 =	sadd.s32 $0x700, s22;
	(v2sf) =	vpush v0, $0xB;
	s14 =	sadd.s32 s3, s29;
	s30 =	spop (v2sf)  }
0x5a: {  	s1 =	sadd.s32 $0x680, s22;
	s26 =	sadd.s32 $0x380, s22;
	s25 =	sand.u32 $0x1FFFFFF0, s30  }
0x5b: {  	(v2sf) =	vpush v0, $0xC;
	[tilespmem:s16], [sflag:$0x1] =	stream.linear.gather [hbm4b:s14+s21], $0x80, $0x38;
	[tilespmem:$0x10200] =	vst v63  }
0x5c: {  	s31 =	sand.u32 $0x1FFFFFF0, s28;
	s28 =	spop (v2sf);
	s29 =	sadd.s32 s3, s25  }
0x5d: {  	(v2sf) =	vpush v0, $0xD;
	[tilespmem:s26], [sflag:$0x1] =	stream.linear.gather [hbm4b:s29+s21], $0x80, $0x38;
	[tilespmem:$0x10200] =	vst v63  }
0x5e: {  	s14 =	sadd.s32 s3, s31;
	s16 =	sand.u32 $0x1FFFFFF0, s28;
	s30 =	spop (v2sf)  }
0x5f: {  	(v2sf) =	vpush v0, $0xE;
	[tilespmem:s8], [sflag:$0x1] =	stream.linear.gather [hbm4b:s14+s21], $0x80, $0x38;
	[tilespmem:$0x10200] =	vst v63  }
0x60: {  	s16 =	sadd.s32 s3, s16;
	s31 =	sand.u32 $0x1FFFFFF0, s30;
	s18 =	spop (v2sf)  }
0x61: {  	(v2sf) =	vpush v0, $0xF;
	[tilespmem:s5], [sflag:$0x1] =	stream.linear.gather [hbm4b:s16+s21], $0x80, $0x38;
	[tilespmem:$0x10200] =	vst v63  }
0x62: {  	s25 =	sand.u32 $0x1FFFFFF0, s18;
	s26 =	spop (v2sf);
	s8 =	sadd.s32 s3, s31  }
0x63: {  	[tilespmem:s12], [sflag:$0x1] =	stream.linear.gather [hbm4b:s8+s21], $0x80, $0x38;
	[tilespmem:$0x10200] =	vst v63  }
0x64: {  	s28 =	sand.u32 $0x1FFFFFF0, s26;
	s5 =	sadd.s32 s3, s25;
	s29 =	spop (v2sf)  }
0x65: {  	[tilespmem:s4], [sflag:$0x1] =	stream.linear.gather [hbm4b:s5+s21], $0x80, $0x38;
	[tilespmem:$0x10200] =	vst v63  }
0x66: {  	s8 =	sadd.s32 s3, s28;
	s30 =	sand.u32 $0x1FFFFFF0, s29;
	s31 =	spop (v2sf)  }
0x67: {  	[tilespmem:s6], [sflag:$0x1] =	stream.linear.gather [hbm4b:s8+s21], $0x80, $0x38;
	[tilespmem:$0x10200] =	vst v63  }
0x68: {  	s5 =	sand.u32 $0x1FFFFFF0, s31;
	s4 =	sadd.s32 s3, s30;
	s12 =	spop (v2sf)  }
0x69: {  	[tilespmem:s1], [sflag:$0x1] =	stream.linear.gather [hbm4b:s4+s21], $0x80, $0x38;
	[tilespmem:$0x10200] =	vst v63  }
0x6a: {  	s5 =	sadd.s32 s3, s5;
	s14 =	sand.u32 $0x1FFFFFF0, s12;
	s16 =	spop (v2sf)  }
0x6b: {  	[tilespmem:s7], [sflag:$0x1] =	stream.linear.gather [hbm4b:s5+s21], $0x80, $0x38;
	[tilespmem:$0x10200] =	vst v63  }
0x6c: {  	s1 =	sadd.s32 s3, s14;
	s4 =	sand.u32 $0x1FFFFFF0, s16;
	s18 =	spop (v2sf)  }
0x6d: {  	[tilespmem:s24], [sflag:$0x1] =	stream.linear.gather [hbm4b:s1+s21], $0x80, $0x38;
	[tilespmem:$0x10200] =	vst v63  }
0x6e: {  	s4 =	sadd.s32 s3, s4;
	s25 =	spop (v2sf);
	s24 =	sand.u32 $0x1FFFFFF0, s18  }
0x6f: {  	[tilespmem:s0], [sflag:$0x1] =	stream.linear.gather [hbm4b:s4+s21], $0x80, $0x38;
	[tilespmem:$0x10200] =	vst v63  }
0x70: {  	s26 =	sand.u32 $0x1FFFFFF0, s25;
	s28 =	spop (v2sf);
	s1 =	sadd.s32 s3, s24  }
0x71: {  	[tilespmem:s23], [sflag:$0x1] =	stream.linear.gather [hbm4b:s1+s21], $0x80, $0x38;
	[tilespmem:$0x10200] =	vst v63  }
0x72: {  	s30 =	sadd.s32 $0x900, s22;
	s29 =	sand.u32 $0x1FFFFFF0, s28;
	s0 =	sadd.s32 s3, s26  }
0x73: {  	[tilespmem:s30], [sflag:$0x1] =	stream.linear.gather [hbm4b:s0+s21], $0x80, $0x38;
	[tilespmem:$0x10200] =	vst v63  }
0x74: {  	s31 =	sadd.s32 $0x980, s22;
	s1 =	sadd.s32 s3, s29;
	s23 =	simm.s32 $0x80  }
0x75: {  	[tilespmem:s31], [sflag:$0x1] =	stream.linear.gather [hbm4b:s1+s21], $0x80, $0x38;
	[tilespmem:$0x10200] =	vst v63  }
0x76: {  	v0 =	vld [tilespmem:s23+$0x0];
	_ =	sdelay $0x4  }
0x77: {  	v0 =	vshll.u32 v0, $0x4  }
0x78: {  	(v2sf) =	vpush v0, $0x0  }
0x79: {  	(v2sf) =	vpush v0, $0x1  }
0x7a: {  	(v2sf) =	vpush v0, $0x2;
	_ =	sdelay $0x1  }
0x7b: {  	(v2sf) =	vpush v0, $0x4;
	_ =	sdelay $0x1  }
0x7c: {  	(v2sf) =	vpush v0, $0x3  }
0x7d: {  	(v2sf) =	vpush v0, $0x5  }
0x7e: {  	s22 =	simm.s32 $0x0;
	s24 =	simm.s32 $0x2000;
	(v2sf) =	vpush v0, $0x6  }
.LBB2_4:
0x7f: {  	p0 =	sne.s32 s24, $0xE000  }
0x80: {  	s4 =	sadd.s32 $0x4280, s22;
	s29 =	sadd.s32 $0x4780, s22;
	s25 =	smov.u32 s24  }
0x81: {  	s24 =	sadd.s32 $0x2000, s24;
	s31 =	sadd.s32 $0x4580, s22;
	s26 =	sadd.s32 $0x4800, s22;
	(v2sf) =	vpush v0, $0x7  }
0x82: {  	s12 =	sadd.s32 $0x4480, s22;
	s0 =	sadd.s32 $0x4600, s22;
	s28 =	sadd.s32 $0x4880, s22  }
0x83: {  	s5 =	sadd.s32 $0x4200, s22;
	s6 =	sadd.s32 $0x4400, s22;
	(v2sf) =	vpush v0, $0x8  }
0x84: {  	s7 =	sadd.s32 $0x4500, s22;
	s23 =	sadd.s32 $0x10, s23  }
0x85: {  	s8 =	sadd.s32 $0x4300, s22;
	s30 =	sadd.s32 $0x4700, s22;
	s1 =	spop (v2sf);
	(v2sf) =	vpush v0, $0x9  }
0x86: {  	s14 =	sand.u32 $0x1FFFFFF0, s1;
	s1 =	sadd.s32 $0x4680, s22;
	s16 =	spop (v2sf)  }
0x87: {  	s14 =	sadd.s32 s3, s14;
	s16 =	sand.u32 $0x1FFFFFF0, s16;
	s18 =	spop (v2sf);
	(v2sf) =	vpush v0, $0xA  }
0x88: {  	[tilespmem:s5], [sflag:$0x2] =	stream.linear.gather [hbm4b:s14+s21], $0x80, $0x38;
	[tilespmem:$0x10200] =	vst v63  }
0x89: {  	s5 =	sadd.s32 s3, s16;
	s14 =	sadd.s32 $0x4380, s22;
	s16 =	spop (v2sf);
	(v2sf) =	vpush v0, $0xB  }
0x8a: {  	[tilespmem:s4], [sflag:$0x2] =	stream.linear.gather [hbm4b:s5+s21], $0x80, $0x38;
	[tilespmem:$0x10200] =	vst v63  }
0x8b: {  	s4 =	sand.u32 $0x1FFFFFF0, s18;
	s5 =	sand.u32 $0x1FFFFFF0, s16;
	s16 =	spop (v2sf);
	(v2sf) =	vpush v0, $0xC  }
0x8c: {  	s4 =	sadd.s32 s3, s4;
	s16 =	sand.u32 $0x1FFFFFF0, s16;
	s18 =	spop (v2sf)  }
0x8d: {  	[tilespmem:s8], [sflag:$0x2] =	stream.linear.gather [hbm4b:s4+s21], $0x80, $0x38;
	(v2sf) =	vpush v0, $0xD;
	[tilespmem:$0x10200] =	vst v63  }
0x8e: {  	s4 =	sadd.s32 s3, s16;
	s8 =	sand.u32 $0x1FFFFFF0, s18;
	s16 =	spop (v2sf)  }
0x8f: {  	[tilespmem:s14], [sflag:$0x2] =	stream.linear.gather [hbm4b:s4+s21], $0x80, $0x38;
	(v2sf) =	vpush v0, $0xE;
	[tilespmem:$0x10200] =	vst v63  }
0x90: {  	s4 =	sadd.s32 s3, s5;
	s5 =	sand.u32 $0x1FFFFFF0, s16;
	s14 =	spop (v2sf)  }
0x91: {  	[tilespmem:s6], [sflag:$0x2] =	stream.linear.gather [hbm4b:s4+s21], $0x80, $0x38;
	(v2sf) =	vpush v0, $0xF;
	[tilespmem:$0x10200] =	vst v63  }
0x92: {  	s4 =	sadd.s32 s3, s8;
	s6 =	sand.u32 $0x1FFFFFF0, s14;
	s8 =	spop (v2sf)  }
0x93: {  	[tilespmem:s12], [sflag:$0x2] =	stream.linear.gather [hbm4b:s4+s21], $0x80, $0x38;
	[tilespmem:$0x10200] =	vst v63  }
0x94: {  	s4 =	sadd.s32 s3, s5;
	s5 =	sand.u32 $0x1FFFFFF0, s8;
	s8 =	spop (v2sf)  }
0x95: {  	[tilespmem:s7], [sflag:$0x2] =	stream.linear.gather [hbm4b:s4+s21], $0x80, $0x38;
	[tilespmem:$0x10200] =	vst v63  }
0x96: {  	s4 =	sadd.s32 s3, s6;
	s6 =	sand.u32 $0x1FFFFFF0, s8;
	s7 =	spop (v2sf)  }
0x97: {  	[tilespmem:s31], [sflag:$0x2] =	stream.linear.gather [hbm4b:s4+s21], $0x80, $0x38;
	[tilespmem:$0x10200] =	vst v63  }
0x98: {  	s4 =	sadd.s32 s3, s5;
	s5 =	sand.u32 $0x1FFFFFF0, s7;
	s7 =	spop (v2sf)  }
0x99: {  	[tilespmem:s0], [sflag:$0x2] =	stream.linear.gather [hbm4b:s4+s21], $0x80, $0x38;
	[tilespmem:$0x10200] =	vst v63  }
0x9a: {  	s0 =	sadd.s32 s3, s6;
	s4 =	sand.u32 $0x1FFFFFF0, s7;
	s6 =	spop (v2sf)  }
0x9b: {  	[tilespmem:s1], [sflag:$0x2] =	stream.linear.gather [hbm4b:s0+s21], $0x80, $0x38;
	[tilespmem:$0x10200] =	vst v63  }
0x9c: {  	s0 =	sadd.s32 s3, s5;
	s1 =	sand.u32 $0x1FFFFFF0, s6;
	s5 =	spop (v2sf)  }
0x9d: {  	[tilespmem:s30], [sflag:$0x2] =	stream.linear.gather [hbm4b:s0+s21], $0x80, $0x38;
	[tilespmem:$0x10200] =	vst v63  }
0x9e: {  	s0 =	sadd.s32 s3, s4;
	s4 =	sand.u32 $0x1FFFFFF0, s5;
	s5 =	spop (v2sf)  }
0x9f: {  	[tilespmem:s29], [sflag:$0x2] =	stream.linear.gather [hbm4b:s0+s21], $0x80, $0x38;
	[tilespmem:$0x10200] =	vst v63  }
0xa0: {  	s0 =	sadd.s32 s3, s1;
	s1 =	sand.u32 $0x1FFFFFF0, s5;
	s5 =	spop (v2sf)  }
0xa1: {  	[tilespmem:s26], [sflag:$0x2] =	stream.linear.gather [hbm4b:s0+s21], $0x80, $0x38;
	[tilespmem:$0x10200] =	vst v63  }
0xa2: {  	s0 =	sadd.s32 s3, s4;
	s4 =	sand.u32 $0x1FFFFFF0, s5  }
0xa3: {  	[tilespmem:s28], [sflag:$0x2] =	stream.linear.gather [hbm4b:s0+s21], $0x80, $0x38;
	[tilespmem:$0x10200] =	vst v63  }
0xa4: {  	s1 =	sadd.s32 s3, s1;
	s0 =	sadd.s32 $0x4900, s22  }
0xa5: {  	[tilespmem:s0], [sflag:$0x2] =	stream.linear.gather [hbm4b:s1+s21], $0x80, $0x38;
	[tilespmem:$0x10200] =	vst v63  }
0xa6: {  	s0 =	sadd.s32 $0x4980, s22;
	s1 =	sadd.s32 s3, s4  }
0xa7: {  	[tilespmem:s0], [sflag:$0x2] =	stream.linear.gather [hbm4b:s1+s21], $0x80, $0x38;
	[tilespmem:$0x10200] =	vst v63  }
0xa8: {  	v0 =	vld [tilespmem:s23+$0x0];
	_ =	sdelay $0x4  }
0xa9: {  	v0 =	vshll.u32 v0, $0x4  }
0xaa: {  	(v2sf) =	vpush v0, $0x0  }
0xab: {  	(v2sf) =	vpush v0, $0x1  }
0xac: {  	(v2sf) =	vpush v0, $0x2;
	_ =	sdelay $0x1  }
0xad: {  	(v2sf) =	vpush v0, $0x4  }
.Ltmp1:
0xae: {  	(pc) =	sbr.rel @p0 .LBB2_4-.Ltmp1, $3  }
0xaf: {  	(v2sf) =	vpush v0, $0x3  }
0xb0: {  	(v2sf) =	vpush v0, $0x5;
	_ =	sdelay $0x1  }
0xb1: {  	s22 =	sshra.s32 s25, $0x2;
	(v2sf) =	vpush v0, $0x6  }
0xb2: {  	_ =	sdelay $0x1  }
0xb3: {  	s1 =	sadd.s32 $0x4280, s22;
	s24 =	sadd.s32 $0x4780, s22  }
0xb4: {  	s4 =	sadd.s32 $0x4580, s22;
	s0 =	sadd.s32 $0x4800, s22;
	(v2sf) =	vpush v0, $0x7;
	s5 =	sadd.s32 $0x4480, s22  }
0xb5: {  	s6 =	sadd.s32 $0x4600, s22;
	s23 =	sadd.s32 $0x4880, s22;
	s7 =	sadd.s32 $0x4200, s22  }
0xb6: {  	s8 =	sadd.s32 $0x4400, s22;
	s12 =	sadd.s32 $0x4500, s22;
	(v2sf) =	vpush v0, $0x8;
	s14 =	spop (v2sf)  }
0xb7: {  	s16 =	sadd.s32 $0x4300, s22;
	s14 =	sand.u32 $0x1FFFFFF0, s14;
	s18 =	spop (v2sf)  }
0xb8: {  	(v2sf) =	vpush v0, $0x9;
	s14 =	sadd.s32 s3, s14;
	s18 =	sand.u32 $0x1FFFFFF0, s18;
	s25 =	spop (v2sf)  }
0xb9: {  	[tilespmem:s7], [sflag:$0x2] =	stream.linear.gather [hbm4b:s14+s21], $0x80, $0x38;
	[tilespmem:$0x10200] =	vst v63  }
0xba: {  	(v2sf) =	vpush v0, $0xA;
	s26 =	sadd.s32 s3, s18;
	s29 =	sand.u32 $0x1FFFFFF0, s25;
	s28 =	spop (v2sf)  }
0xbb: {  	[tilespmem:s1], [sflag:$0x2] =	stream.linear.gather [hbm4b:s26+s21], $0x80, $0x38;
	[tilespmem:$0x10200] =	vst v63  }
0xbc: {  	s7 =	sadd.s32 $0x4700, s22;
	(v2sf) =	vpush v0, $0xB;
	s14 =	sadd.s32 s3, s29;
	s30 =	spop (v2sf)  }
0xbd: {  	s1 =	sadd.s32 $0x4680, s22;
	s26 =	sadd.s32 $0x4380, s22;
	s25 =	sand.u32 $0x1FFFFFF0, s30  }
0xbe: {  	(v2sf) =	vpush v0, $0xC;
	[tilespmem:s16], [sflag:$0x2] =	stream.linear.gather [hbm4b:s14+s21], $0x80, $0x38;
	[tilespmem:$0x10200] =	vst v63  }
0xbf: {  	s31 =	sand.u32 $0x1FFFFFF0, s28;
	s28 =	spop (v2sf);
	s29 =	sadd.s32 s3, s25  }
0xc0: {  	(v2sf) =	vpush v0, $0xD;
	[tilespmem:s26], [sflag:$0x2] =	stream.linear.gather [hbm4b:s29+s21], $0x80, $0x38;
	[tilespmem:$0x10200] =	vst v63  }
0xc1: {  	s14 =	sadd.s32 s3, s31;
	s16 =	sand.u32 $0x1FFFFFF0, s28;
	s30 =	spop (v2sf)  }
0xc2: {  	(v2sf) =	vpush v0, $0xE;
	[tilespmem:s8], [sflag:$0x2] =	stream.linear.gather [hbm4b:s14+s21], $0x80, $0x38;
	[tilespmem:$0x10200] =	vst v63  }
0xc3: {  	s16 =	sadd.s32 s3, s16;
	s31 =	sand.u32 $0x1FFFFFF0, s30;
	s18 =	spop (v2sf)  }
0xc4: {  	(v2sf) =	vpush v0, $0xF;
	[tilespmem:s5], [sflag:$0x2] =	stream.linear.gather [hbm4b:s16+s21], $0x80, $0x38;
	[tilespmem:$0x10200] =	vst v63  }
0xc5: {  	s25 =	sand.u32 $0x1FFFFFF0, s18;
	s26 =	spop (v2sf);
	s8 =	sadd.s32 s3, s31  }
0xc6: {  	[tilespmem:s12], [sflag:$0x2] =	stream.linear.gather [hbm4b:s8+s21], $0x80, $0x38;
	[tilespmem:$0x10200] =	vst v63  }
0xc7: {  	s28 =	sand.u32 $0x1FFFFFF0, s26;
	s5 =	sadd.s32 s3, s25;
	s29 =	spop (v2sf)  }
0xc8: {  	[tilespmem:s4], [sflag:$0x2] =	stream.linear.gather [hbm4b:s5+s21], $0x80, $0x38;
	[tilespmem:$0x10200] =	vst v63  }
0xc9: {  	s8 =	sadd.s32 s3, s28;
	s30 =	sand.u32 $0x1FFFFFF0, s29;
	s31 =	spop (v2sf)  }
0xca: {  	[tilespmem:s6], [sflag:$0x2] =	stream.linear.gather [hbm4b:s8+s21], $0x80, $0x38;
	[tilespmem:$0x10200] =	vst v63  }
0xcb: {  	s5 =	sand.u32 $0x1FFFFFF0, s31;
	s4 =	sadd.s32 s3, s30;
	s12 =	spop (v2sf)  }
0xcc: {  	[tilespmem:s1], [sflag:$0x2] =	stream.linear.gather [hbm4b:s4+s21], $0x80, $0x38;
	[tilespmem:$0x10200] =	vst v63  }
0xcd: {  	s5 =	sadd.s32 s3, s5;
	s14 =	sand.u32 $0x1FFFFFF0, s12;
	s16 =	spop (v2sf)  }
0xce: {  	[tilespmem:s7], [sflag:$0x2] =	stream.linear.gather [hbm4b:s5+s21], $0x80, $0x38;
	[tilespmem:$0x10200] =	vst v63  }
0xcf: {  	s1 =	sadd.s32 s3, s14;
	s4 =	sand.u32 $0x1FFFFFF0, s16;
	s18 =	spop (v2sf)  }
0xd0: {  	[tilespmem:s24], [sflag:$0x2] =	stream.linear.gather [hbm4b:s1+s21], $0x80, $0x38;
	[tilespmem:$0x10200] =	vst v63  }
0xd1: {  	s4 =	sadd.s32 s3, s4;
	s25 =	spop (v2sf);
	s24 =	sand.u32 $0x1FFFFFF0, s18  }
0xd2: {  	[tilespmem:s0], [sflag:$0x2] =	stream.linear.gather [hbm4b:s4+s21], $0x80, $0x38;
	[tilespmem:$0x10200] =	vst v63  }
0xd3: {  	s26 =	sand.u32 $0x1FFFFFF0, s25;
	s28 =	spop (v2sf);
	s1 =	sadd.s32 s3, s24  }
0xd4: {  	[tilespmem:s23], [sflag:$0x2] =	stream.linear.gather [hbm4b:s1+s21], $0x80, $0x38;
	[tilespmem:$0x10200] =	vst v63  }
0xd5: {  	s30 =	sadd.s32 $0x4900, s22;
	s29 =	sand.u32 $0x1FFFFFF0, s28;
	s0 =	sadd.s32 s3, s26  }
0xd6: {  	[tilespmem:s30], [sflag:$0x2] =	stream.linear.gather [hbm4b:s0+s21], $0x80, $0x38;
	[tilespmem:$0x10200] =	vst v63  }
0xd7: {  	s31 =	sadd.s32 $0x4980, s22;
	s1 =	sadd.s32 s3, s29;
	s23 =	simm.s32 $0x100  }
0xd8: {  	[tilespmem:s31], [sflag:$0x2] =	stream.linear.gather [hbm4b:s1+s21], $0x80, $0x38;
	[tilespmem:$0x10200] =	vst v63  }
0xd9: {  	v0 =	vld [tilespmem:s23+$0x0];
	_ =	sdelay $0x4  }
0xda: {  	v0 =	vshll.u32 v0, $0x4  }
0xdb: {  	(v2sf) =	vpush v0, $0x0  }
0xdc: {  	(v2sf) =	vpush v0, $0x1  }
0xdd: {  	(v2sf) =	vpush v0, $0x2;
	_ =	sdelay $0x1  }
0xde: {  	(v2sf) =	vpush v0, $0x4;
	_ =	sdelay $0x1  }
0xdf: {  	(v2sf) =	vpush v0, $0x3  }
0xe0: {  	(v2sf) =	vpush v0, $0x5  }
0xe1: {  	s22 =	simm.s32 $0x0;
	s24 =	simm.s32 $0x2000;
	(v2sf) =	vpush v0, $0x6  }
.LBB2_6:
0xe2: {  	p0 =	sne.s32 s24, $0xE000  }
0xe3: {  	s4 =	sadd.s32 $0x8280, s22;
	s29 =	sadd.s32 $0x8780, s22;
	s25 =	smov.u32 s24  }
0xe4: {  	s24 =	sadd.s32 $0x2000, s24;
	s0 =	sadd.s32 $0x8580, s22;
	s26 =	sadd.s32 $0x8800, s22;
	(v2sf) =	vpush v0, $0x7  }
0xe5: {  	s12 =	sadd.s32 $0x8480, s22;
	s30 =	sadd.s32 $0x8600, s22;
	s28 =	sadd.s32 $0x8880, s22  }
0xe6: {  	s5 =	sadd.s32 $0x8200, s22;
	s6 =	sadd.s32 $0x8400, s22;
	(v2sf) =	vpush v0, $0x8  }
0xe7: {  	s21 =	simm.s32 $0x0;
	s7 =	sadd.s32 $0x8500, s22;
	s23 =	sadd.s32 $0x10, s23  }
0xe8: {  	s8 =	sadd.s32 $0x8300, s22;
	s31 =	sadd.s32 $0x8700, s22;
	s1 =	spop (v2sf);
	(v2sf) =	vpush v0, $0x9  }
0xe9: {  	s14 =	sand.u32 $0x1FFFFFF0, s1;
	s1 =	sadd.s32 $0x8680, s22;
	s16 =	spop (v2sf)  }
0xea: {  	s14 =	sadd.s32 s3, s14;
	s16 =	sand.u32 $0x1FFFFFF0, s16;
	s18 =	spop (v2sf);
	(v2sf) =	vpush v0, $0xA  }
0xeb: {  	[tilespmem:s5], [sflag:$0x3] =	stream.linear.gather [hbm4b:s14+s21], $0x80, $0x38;
	[tilespmem:$0x10200] =	vst v63  }
0xec: {  	s5 =	sadd.s32 s3, s16;
	s14 =	sadd.s32 $0x8380, s22;
	s16 =	spop (v2sf);
	(v2sf) =	vpush v0, $0xB  }
0xed: {  	[tilespmem:s4], [sflag:$0x3] =	stream.linear.gather [hbm4b:s5+s21], $0x80, $0x38;
	[tilespmem:$0x10200] =	vst v63  }
0xee: {  	s4 =	sand.u32 $0x1FFFFFF0, s18;
	s5 =	sand.u32 $0x1FFFFFF0, s16;
	s16 =	spop (v2sf);
	(v2sf) =	vpush v0, $0xC  }
0xef: {  	s4 =	sadd.s32 s3, s4;
	s16 =	sand.u32 $0x1FFFFFF0, s16;
	s18 =	spop (v2sf)  }
0xf0: {  	[tilespmem:s8], [sflag:$0x3] =	stream.linear.gather [hbm4b:s4+s21], $0x80, $0x38;
	(v2sf) =	vpush v0, $0xD;
	[tilespmem:$0x10200] =	vst v63  }
0xf1: {  	s4 =	sadd.s32 s3, s16;
	s8 =	sand.u32 $0x1FFFFFF0, s18;
	s16 =	spop (v2sf)  }
0xf2: {  	[tilespmem:s14], [sflag:$0x3] =	stream.linear.gather [hbm4b:s4+s21], $0x80, $0x38;
	(v2sf) =	vpush v0, $0xE;
	[tilespmem:$0x10200] =	vst v63  }
0xf3: {  	s4 =	sadd.s32 s3, s5;
	s5 =	sand.u32 $0x1FFFFFF0, s16;
	s14 =	spop (v2sf)  }
0xf4: {  	[tilespmem:s6], [sflag:$0x3] =	stream.linear.gather [hbm4b:s4+s21], $0x80, $0x38;
	(v2sf) =	vpush v0, $0xF;
	[tilespmem:$0x10200] =	vst v63  }
0xf5: {  	s4 =	sadd.s32 s3, s8;
	s6 =	sand.u32 $0x1FFFFFF0, s14;
	s8 =	spop (v2sf)  }
0xf6: {  	[tilespmem:s12], [sflag:$0x3] =	stream.linear.gather [hbm4b:s4+s21], $0x80, $0x38;
	[tilespmem:$0x10200] =	vst v63  }
0xf7: {  	s4 =	sadd.s32 s3, s5;
	s5 =	sand.u32 $0x1FFFFFF0, s8;
	s8 =	spop (v2sf)  }
0xf8: {  	[tilespmem:s7], [sflag:$0x3] =	stream.linear.gather [hbm4b:s4+s21], $0x80, $0x38;
	[tilespmem:$0x10200] =	vst v63  }
0xf9: {  	s4 =	sadd.s32 s3, s6;
	s6 =	sand.u32 $0x1FFFFFF0, s8;
	s7 =	spop (v2sf)  }
0xfa: {  	[tilespmem:s0], [sflag:$0x3] =	stream.linear.gather [hbm4b:s4+s21], $0x80, $0x38;
	[tilespmem:$0x10200] =	vst v63  }
0xfb: {  	s0 =	sadd.s32 s3, s5;
	s4 =	sand.u32 $0x1FFFFFF0, s7;
	s5 =	spop (v2sf)  }
0xfc: {  	[tilespmem:s30], [sflag:$0x3] =	stream.linear.gather [hbm4b:s0+s21], $0x80, $0x38;
	[tilespmem:$0x10200] =	vst v63  }
0xfd: {  	s0 =	sadd.s32 s3, s6;
	s5 =	sand.u32 $0x1FFFFFF0, s5;
	s6 =	spop (v2sf)  }
0xfe: {  	[tilespmem:s1], [sflag:$0x3] =	stream.linear.gather [hbm4b:s0+s21], $0x80, $0x38;
	[tilespmem:$0x10200] =	vst v63  }
0xff: {  	s0 =	sadd.s32 s3, s4;
	s1 =	sand.u32 $0x1FFFFFF0, s6;
	s4 =	spop (v2sf)  }
0x100: {  	[tilespmem:s31], [sflag:$0x3] =	stream.linear.gather [hbm4b:s0+s21], $0x80, $0x38;
	[tilespmem:$0x10200] =	vst v63  }
0x101: {  	s0 =	sadd.s32 s3, s5;
	s4 =	sand.u32 $0x1FFFFFF0, s4;
	s5 =	spop (v2sf)  }
0x102: {  	[tilespmem:s29], [sflag:$0x3] =	stream.linear.gather [hbm4b:s0+s21], $0x80, $0x38;
	[tilespmem:$0x10200] =	vst v63  }
0x103: {  	s0 =	sadd.s32 s3, s1;
	s1 =	sand.u32 $0x1FFFFFF0, s5;
	s5 =	spop (v2sf)  }
0x104: {  	[tilespmem:s26], [sflag:$0x3] =	stream.linear.gather [hbm4b:s0+s21], $0x80, $0x38;
	[tilespmem:$0x10200] =	vst v63  }
0x105: {  	s0 =	sadd.s32 s3, s4;
	s4 =	sand.u32 $0x1FFFFFF0, s5  }
0x106: {  	[tilespmem:s28], [sflag:$0x3] =	stream.linear.gather [hbm4b:s0+s21], $0x80, $0x38;
	[tilespmem:$0x10200] =	vst v63  }
0x107: {  	s1 =	sadd.s32 s3, s1;
	s0 =	sadd.s32 $0x8900, s22  }
0x108: {  	[tilespmem:s0], [sflag:$0x3] =	stream.linear.gather [hbm4b:s1+s21], $0x80, $0x38;
	[tilespmem:$0x10200] =	vst v63  }
0x109: {  	s0 =	sadd.s32 $0x8980, s22;
	s1 =	sadd.s32 s3, s4  }
0x10a: {  	[tilespmem:s0], [sflag:$0x3] =	stream.linear.gather [hbm4b:s1+s21], $0x80, $0x38;
	[tilespmem:$0x10200] =	vst v63  }
0x10b: {  	v0 =	vld [tilespmem:s23+$0x0];
	_ =	sdelay $0x4  }
0x10c: {  	v0 =	vshll.u32 v0, $0x4  }
0x10d: {  	(v2sf) =	vpush v0, $0x0  }
0x10e: {  	(v2sf) =	vpush v0, $0x1  }
0x10f: {  	(v2sf) =	vpush v0, $0x2;
	_ =	sdelay $0x1  }
0x110: {  	(v2sf) =	vpush v0, $0x4  }
.Ltmp2:
0x111: {  	(pc) =	sbr.rel @p0 .LBB2_6-.Ltmp2, $3  }
0x112: {  	(v2sf) =	vpush v0, $0x3  }
0x113: {  	(v2sf) =	vpush v0, $0x5;
	_ =	sdelay $0x1  }
0x114: {  	s22 =	sshra.s32 s25, $0x2;
	(v2sf) =	vpush v0, $0x6  }
0x115: {  	_ =	sdelay $0x1  }
0x116: {  	s1 =	sadd.s32 $0x8280, s22;
	s24 =	sadd.s32 $0x8780, s22  }
0x117: {  	s4 =	sadd.s32 $0x8580, s22;
	s0 =	sadd.s32 $0x8800, s22;
	(v2sf) =	vpush v0, $0x7;
	s5 =	sadd.s32 $0x8480, s22  }
0x118: {  	s6 =	sadd.s32 $0x8600, s22;
	s23 =	sadd.s32 $0x8880, s22;
	s7 =	sadd.s32 $0x8200, s22  }
0x119: {  	s8 =	sadd.s32 $0x8400, s22;
	s12 =	sadd.s32 $0x8500, s22;
	(v2sf) =	vpush v0, $0x8;
	s14 =	spop (v2sf)  }
0x11a: {  	s16 =	sadd.s32 $0x8300, s22;
	s14 =	sand.u32 $0x1FFFFFF0, s14;
	s18 =	spop (v2sf)  }
0x11b: {  	(v2sf) =	vpush v0, $0x9;
	s14 =	sadd.s32 s3, s14;
	s18 =	sand.u32 $0x1FFFFFF0, s18;
	s25 =	spop (v2sf)  }
0x11c: {  	[tilespmem:s7], [sflag:$0x3] =	stream.linear.gather [hbm4b:s14+s21], $0x80, $0x38;
	[tilespmem:$0x10200] =	vst v63  }
0x11d: {  	(v2sf) =	vpush v0, $0xA;
	s26 =	sadd.s32 s3, s18;
	s29 =	sand.u32 $0x1FFFFFF0, s25;
	s28 =	spop (v2sf)  }
0x11e: {  	[tilespmem:s1], [sflag:$0x3] =	stream.linear.gather [hbm4b:s26+s21], $0x80, $0x38;
	[tilespmem:$0x10200] =	vst v63  }
0x11f: {  	s7 =	sadd.s32 $0x8700, s22;
	(v2sf) =	vpush v0, $0xB;
	s14 =	sadd.s32 s3, s29;
	s30 =	spop (v2sf)  }
0x120: {  	s1 =	sadd.s32 $0x8680, s22;
	s26 =	sadd.s32 $0x8380, s22;
	s25 =	sand.u32 $0x1FFFFFF0, s30  }
0x121: {  	(v2sf) =	vpush v0, $0xC;
	[tilespmem:s16], [sflag:$0x3] =	stream.linear.gather [hbm4b:s14+s21], $0x80, $0x38;
	[tilespmem:$0x10200] =	vst v63  }
0x122: {  	s31 =	sand.u32 $0x1FFFFFF0, s28;
	s28 =	spop (v2sf);
	s29 =	sadd.s32 s3, s25  }
0x123: {  	(v2sf) =	vpush v0, $0xD;
	[tilespmem:s26], [sflag:$0x3] =	stream.linear.gather [hbm4b:s29+s21], $0x80, $0x38;
	[tilespmem:$0x10200] =	vst v63  }
0x124: {  	s14 =	sadd.s32 s3, s31;
	s16 =	sand.u32 $0x1FFFFFF0, s28;
	s30 =	spop (v2sf)  }
0x125: {  	(v2sf) =	vpush v0, $0xE;
	[tilespmem:s8], [sflag:$0x3] =	stream.linear.gather [hbm4b:s14+s21], $0x80, $0x38;
	[tilespmem:$0x10200] =	vst v63  }
0x126: {  	s16 =	sadd.s32 s3, s16;
	s31 =	sand.u32 $0x1FFFFFF0, s30;
	s18 =	spop (v2sf)  }
0x127: {  	(v2sf) =	vpush v0, $0xF;
	[tilespmem:s5], [sflag:$0x3] =	stream.linear.gather [hbm4b:s16+s21], $0x80, $0x38;
	[tilespmem:$0x10200] =	vst v63  }
0x128: {  	s25 =	sand.u32 $0x1FFFFFF0, s18;
	s26 =	spop (v2sf);
	s8 =	sadd.s32 s3, s31  }
0x129: {  	[tilespmem:s12], [sflag:$0x3] =	stream.linear.gather [hbm4b:s8+s21], $0x80, $0x38;
	[tilespmem:$0x10200] =	vst v63  }
0x12a: {  	s28 =	sand.u32 $0x1FFFFFF0, s26;
	s5 =	sadd.s32 s3, s25;
	s29 =	spop (v2sf)  }
0x12b: {  	[tilespmem:s4], [sflag:$0x3] =	stream.linear.gather [hbm4b:s5+s21], $0x80, $0x38;
	[tilespmem:$0x10200] =	vst v63  }
0x12c: {  	s8 =	sadd.s32 s3, s28;
	s30 =	sand.u32 $0x1FFFFFF0, s29;
	s31 =	spop (v2sf)  }
0x12d: {  	[tilespmem:s6], [sflag:$0x3] =	stream.linear.gather [hbm4b:s8+s21], $0x80, $0x38;
	[tilespmem:$0x10200] =	vst v63  }
0x12e: {  	s5 =	sand.u32 $0x1FFFFFF0, s31;
	s4 =	sadd.s32 s3, s30;
	s12 =	spop (v2sf)  }
0x12f: {  	[tilespmem:s1], [sflag:$0x3] =	stream.linear.gather [hbm4b:s4+s21], $0x80, $0x38;
	[tilespmem:$0x10200] =	vst v63  }
0x130: {  	s5 =	sadd.s32 s3, s5;
	s14 =	sand.u32 $0x1FFFFFF0, s12;
	s16 =	spop (v2sf)  }
0x131: {  	[tilespmem:s7], [sflag:$0x3] =	stream.linear.gather [hbm4b:s5+s21], $0x80, $0x38;
	[tilespmem:$0x10200] =	vst v63  }
0x132: {  	s1 =	sadd.s32 s3, s14;
	s4 =	sand.u32 $0x1FFFFFF0, s16;
	s18 =	spop (v2sf)  }
0x133: {  	[tilespmem:s24], [sflag:$0x3] =	stream.linear.gather [hbm4b:s1+s21], $0x80, $0x38;
	[tilespmem:$0x10200] =	vst v63  }
0x134: {  	s4 =	sadd.s32 s3, s4;
	s25 =	spop (v2sf);
	s24 =	sand.u32 $0x1FFFFFF0, s18  }
0x135: {  	[tilespmem:s0], [sflag:$0x3] =	stream.linear.gather [hbm4b:s4+s21], $0x80, $0x38;
	[tilespmem:$0x10200] =	vst v63  }
0x136: {  	s26 =	sand.u32 $0x1FFFFFF0, s25;
	s28 =	spop (v2sf);
	s1 =	sadd.s32 s3, s24  }
0x137: {  	[tilespmem:s23], [sflag:$0x3] =	stream.linear.gather [hbm4b:s1+s21], $0x80, $0x38;
	[tilespmem:$0x10200] =	vst v63  }
0x138: {  	s30 =	sadd.s32 $0x8900, s22;
	s29 =	sand.u32 $0x1FFFFFF0, s28;
	s0 =	sadd.s32 s3, s26  }
0x139: {  	[tilespmem:s30], [sflag:$0x3] =	stream.linear.gather [hbm4b:s0+s21], $0x80, $0x38;
	[tilespmem:$0x10200] =	vst v63  }
0x13a: {  	s31 =	sadd.s32 $0x8980, s22;
	s22 =	simm.s32 $0x180;
	s1 =	sadd.s32 s3, s29  }
0x13b: {  	[tilespmem:s31], [sflag:$0x3] =	stream.linear.gather [hbm4b:s1+s21], $0x80, $0x38;
	[tilespmem:$0x10200] =	vst v63  }
0x13c: {  	v0 =	vld [tilespmem:s22+$0x0];
	_ =	sdelay $0x4  }
0x13d: {  	v0 =	vshll.u32 v0, $0x4  }
0x13e: {  	(v2sf) =	vpush v0, $0x0  }
0x13f: {  	(v2sf) =	vpush v0, $0x1  }
0x140: {  	(v2sf) =	vpush v0, $0x2;
	_ =	sdelay $0x1  }
0x141: {  	(v2sf) =	vpush v0, $0x4;
	_ =	sdelay $0x1  }
0x142: {  	(v2sf) =	vpush v0, $0x3  }
0x143: {  	(v2sf) =	vpush v0, $0x5  }
0x144: {  	s23 =	simm.s32 $0x2000;
	s21 =	simm.s32 $0x0;
	(v2sf) =	vpush v0, $0x6  }
.LBB2_8:
0x145: {  	p0 =	sne.s32 s23, $0xE000  }
0x146: {  	s4 =	sadd.s32 $0xC280, s21;
	s28 =	sadd.s32 $0xC780, s21;
	s24 =	smov.u32 s23  }
0x147: {  	s23 =	sadd.s32 $0x2000, s23;
	s30 =	sadd.s32 $0xC580, s21;
	s25 =	sadd.s32 $0xC800, s21;
	(v2sf) =	vpush v0, $0x7  }
0x148: {  	s12 =	sadd.s32 $0xC480, s21;
	s0 =	sadd.s32 $0xC600, s21;
	s26 =	sadd.s32 $0xC880, s21  }
0x149: {  	s5 =	sadd.s32 $0xC200, s21;
	s6 =	sadd.s32 $0xC400, s21;
	(v2sf) =	vpush v0, $0x8  }
0x14a: {  	s7 =	sadd.s32 $0xC500, s21;
	s22 =	sadd.s32 $0x10, s22  }
0x14b: {  	s8 =	sadd.s32 $0xC300, s21;
	s29 =	sadd.s32 $0xC700, s21;
	s1 =	spop (v2sf);
	(v2sf) =	vpush v0, $0x9  }
0x14c: {  	s14 =	sand.u32 $0x1FFFFFF0, s1;
	s1 =	sadd.s32 $0xC680, s21;
	s16 =	spop (v2sf)  }
0x14d: {  	s14 =	sadd.s32 s3, s14;
	s16 =	sand.u32 $0x1FFFFFF0, s16;
	s18 =	spop (v2sf);
	(v2sf) =	vpush v0, $0xA  }
0x14e: {  	[tilespmem:s5], [sflag:$0x4] =	stream.linear.gather [hbm4b:s14+s2], $0x80, $0x38;
	[tilespmem:$0x10200] =	vst v63  }
0x14f: {  	s5 =	sadd.s32 s3, s16;
	s14 =	sadd.s32 $0xC380, s21;
	s16 =	spop (v2sf);
	(v2sf) =	vpush v0, $0xB  }
0x150: {  	[tilespmem:s4], [sflag:$0x4] =	stream.linear.gather [hbm4b:s5+s2], $0x80, $0x38;
	[tilespmem:$0x10200] =	vst v63  }
0x151: {  	s4 =	sand.u32 $0x1FFFFFF0, s18;
	s5 =	sand.u32 $0x1FFFFFF0, s16;
	s16 =	spop (v2sf);
	(v2sf) =	vpush v0, $0xC  }
0x152: {  	s4 =	sadd.s32 s3, s4;
	s16 =	sand.u32 $0x1FFFFFF0, s16;
	s18 =	spop (v2sf)  }
0x153: {  	[tilespmem:s8], [sflag:$0x4] =	stream.linear.gather [hbm4b:s4+s2], $0x80, $0x38;
	(v2sf) =	vpush v0, $0xD;
	[tilespmem:$0x10200] =	vst v63  }
0x154: {  	s4 =	sadd.s32 s3, s16;
	s8 =	sand.u32 $0x1FFFFFF0, s18;
	s16 =	spop (v2sf)  }
0x155: {  	[tilespmem:s14], [sflag:$0x4] =	stream.linear.gather [hbm4b:s4+s2], $0x80, $0x38;
	(v2sf) =	vpush v0, $0xE;
	[tilespmem:$0x10200] =	vst v63  }
0x156: {  	s4 =	sadd.s32 s3, s5;
	s5 =	sand.u32 $0x1FFFFFF0, s16;
	s14 =	spop (v2sf)  }
0x157: {  	[tilespmem:s6], [sflag:$0x4] =	stream.linear.gather [hbm4b:s4+s2], $0x80, $0x38;
	(v2sf) =	vpush v0, $0xF;
	[tilespmem:$0x10200] =	vst v63  }
0x158: {  	s4 =	sadd.s32 s3, s8;
	s6 =	sand.u32 $0x1FFFFFF0, s14;
	s8 =	spop (v2sf)  }
0x159: {  	[tilespmem:s12], [sflag:$0x4] =	stream.linear.gather [hbm4b:s4+s2], $0x80, $0x38;
	[tilespmem:$0x10200] =	vst v63  }
0x15a: {  	s4 =	sadd.s32 s3, s5;
	s5 =	sand.u32 $0x1FFFFFF0, s8;
	s8 =	spop (v2sf)  }
0x15b: {  	[tilespmem:s7], [sflag:$0x4] =	stream.linear.gather [hbm4b:s4+s2], $0x80, $0x38;
	[tilespmem:$0x10200] =	vst v63  }
0x15c: {  	s4 =	sadd.s32 s3, s6;
	s6 =	sand.u32 $0x1FFFFFF0, s8;
	s7 =	spop (v2sf)  }
0x15d: {  	[tilespmem:s30], [sflag:$0x4] =	stream.linear.gather [hbm4b:s4+s2], $0x80, $0x38;
	[tilespmem:$0x10200] =	vst v63  }
0x15e: {  	s4 =	sadd.s32 s3, s5;
	s5 =	sand.u32 $0x1FFFFFF0, s7;
	s7 =	spop (v2sf)  }
0x15f: {  	[tilespmem:s0], [sflag:$0x4] =	stream.linear.gather [hbm4b:s4+s2], $0x80, $0x38;
	[tilespmem:$0x10200] =	vst v63  }
0x160: {  	s0 =	sadd.s32 s3, s6;
	s4 =	sand.u32 $0x1FFFFFF0, s7;
	s6 =	spop (v2sf)  }
0x161: {  	[tilespmem:s1], [sflag:$0x4] =	stream.linear.gather [hbm4b:s0+s2], $0x80, $0x38;
	[tilespmem:$0x10200] =	vst v63  }
0x162: {  	s0 =	sadd.s32 s3, s5;
	s1 =	sand.u32 $0x1FFFFFF0, s6;
	s5 =	spop (v2sf)  }
0x163: {  	[tilespmem:s29], [sflag:$0x4] =	stream.linear.gather [hbm4b:s0+s2], $0x80, $0x38;
	[tilespmem:$0x10200] =	vst v63  }
0x164: {  	s0 =	sadd.s32 s3, s4;
	s4 =	sand.u32 $0x1FFFFFF0, s5;
	s5 =	spop (v2sf)  }
0x165: {  	[tilespmem:s28], [sflag:$0x4] =	stream.linear.gather [hbm4b:s0+s2], $0x80, $0x38;
	[tilespmem:$0x10200] =	vst v63  }
0x166: {  	s0 =	sadd.s32 s3, s1;
	s1 =	sand.u32 $0x1FFFFFF0, s5;
	s5 =	spop (v2sf)  }
0x167: {  	[tilespmem:s25], [sflag:$0x4] =	stream.linear.gather [hbm4b:s0+s2], $0x80, $0x38;
	[tilespmem:$0x10200] =	vst v63  }
0x168: {  	s0 =	sadd.s32 s3, s4;
	s4 =	sand.u32 $0x1FFFFFF0, s5  }
0x169: {  	[tilespmem:s26], [sflag:$0x4] =	stream.linear.gather [hbm4b:s0+s2], $0x80, $0x38;
	[tilespmem:$0x10200] =	vst v63  }
0x16a: {  	s1 =	sadd.s32 s3, s1;
	s0 =	sadd.s32 $0xC900, s21  }
0x16b: {  	[tilespmem:s0], [sflag:$0x4] =	stream.linear.gather [hbm4b:s1+s2], $0x80, $0x38;
	[tilespmem:$0x10200] =	vst v63  }
0x16c: {  	s0 =	sadd.s32 $0xC980, s21;
	s1 =	sadd.s32 s3, s4  }
0x16d: {  	[tilespmem:s0], [sflag:$0x4] =	stream.linear.gather [hbm4b:s1+s2], $0x80, $0x38;
	[tilespmem:$0x10200] =	vst v63  }
0x16e: {  	v0 =	vld [tilespmem:s22+$0x0];
	_ =	sdelay $0x4  }
0x16f: {  	v0 =	vshll.u32 v0, $0x4  }
0x170: {  	(v2sf) =	vpush v0, $0x0  }
0x171: {  	(v2sf) =	vpush v0, $0x1  }
0x172: {  	(v2sf) =	vpush v0, $0x2;
	_ =	sdelay $0x1  }
0x173: {  	(v2sf) =	vpush v0, $0x4  }
.Ltmp3:
0x174: {  	(pc) =	sbr.rel @p0 .LBB2_8-.Ltmp3, $3  }
0x175: {  	(v2sf) =	vpush v0, $0x3  }
0x176: {  	(v2sf) =	vpush v0, $0x5;
	_ =	sdelay $0x1  }
0x177: {  	s21 =	sshra.s32 s24, $0x2;
	(v2sf) =	vpush v0, $0x6  }
0x178: {  	_ =	sdelay $0x5  }
0x179: {  	s0 =	spop (v2sf)  }
0x17a: {  	s1 =	spop (v2sf)  }
0x17b: {  	s31 =	spop (v2sf)  }
0x17c: {  	s5 =	spop (v2sf);
	(v2sf) =	vpush v0, $0x7  }
0x17d: {  	s0 =	sand.u32 $0x1FFFFFF0, s0  }
0x17e: {  	s4 =	sadd.s32 $0xC200, s21;
	s0 =	sadd.s32 s3, s0  }
0x17f: {  	[tilespmem:s4], [sflag:$0x4] =	stream.linear.gather [hbm4b:s0+s2], $0x80, $0x38;
	[tilespmem:$0x10200] =	vst v63  }
0x180: {  	s1 =	sand.u32 $0x1FFFFFF0, s1;
	s6 =	spop (v2sf);
	(v2sf) =	vpush v0, $0x8  }
0x181: {  	s30 =	sadd.s32 $0xC280, s21;
	s1 =	sadd.s32 s3, s1  }
0x182: {  	[tilespmem:s30], [sflag:$0x4] =	stream.linear.gather [hbm4b:s1+s2], $0x80, $0x38;
	[tilespmem:$0x10200] =	vst v63  }
0x183: {  	s1 =	sand.u32 $0x1FFFFFF0, s31;
	s14 =	spop (v2sf);
	(v2sf) =	vpush v0, $0x9  }
0x184: {  	s4 =	sadd.s32 $0xC300, s21;
	s0 =	sadd.s32 s3, s1  }
0x185: {  	[tilespmem:s4], [sflag:$0x4] =	stream.linear.gather [hbm4b:s0+s2], $0x80, $0x38;
	[tilespmem:$0x10200] =	vst v63  }
0x186: {  	s0 =	sand.u32 $0x1FFFFFF0, s6;
	s18 =	spop (v2sf);
	(v2sf) =	vpush v0, $0xA  }
0x187: {  	s7 =	sadd.s32 $0xC380, s21;
	s8 =	sand.u32 $0x1FFFFFF0, s5;
	s0 =	sadd.s32 s3, s0  }
0x188: {  	[tilespmem:s7], [sflag:$0x4] =	stream.linear.gather [hbm4b:s0+s2], $0x80, $0x38;
	[tilespmem:$0x10200] =	vst v63  }
0x189: {  	s12 =	sadd.s32 $0xC400, s21;
	s0 =	sadd.s32 s3, s8  }
0x18a: {  	[tilespmem:s12], [sflag:$0x4] =	stream.linear.gather [hbm4b:s0+s2], $0x80, $0x38;
	[tilespmem:$0x10200] =	vst v63  }
0x18b: {  	s0 =	sand.u32 $0x1FFFFFF0, s14;
	s23 =	spop (v2sf);
	(v2sf) =	vpush v0, $0xB  }
0x18c: {  	s16 =	sadd.s32 $0xC480, s21;
	s0 =	sadd.s32 s3, s0  }
0x18d: {  	[tilespmem:s16], [sflag:$0x4] =	stream.linear.gather [hbm4b:s0+s2], $0x80, $0x38;
	[tilespmem:$0x10200] =	vst v63  }
0x18e: {  	s0 =	sand.u32 $0x1FFFFFF0, s18  }
0x18f: {  	s22 =	sadd.s32 $0xC500, s21;
	s0 =	sadd.s32 s3, s0;
	s25 =	spop (v2sf);
	(v2sf) =	vpush v0, $0xC  }
0x190: {  	[tilespmem:s22], [sflag:$0x4] =	stream.linear.gather [hbm4b:s0+s2], $0x80, $0x38;
	[tilespmem:$0x10200] =	vst v63  }
0x191: {  	s0 =	sand.u32 $0x1FFFFFF0, s23  }
0x192: {  	s24 =	sadd.s32 $0xC580, s21;
	s0 =	sadd.s32 s3, s0;
	s28 =	spop (v2sf);
	(v2sf) =	vpush v0, $0xD  }
0x193: {  	[tilespmem:s24], [sflag:$0x4] =	stream.linear.gather [hbm4b:s0+s2], $0x80, $0x38;
	[tilespmem:$0x10200] =	vst v63  }
0x194: {  	s0 =	sand.u32 $0x1FFFFFF0, s25  }
0x195: {  	s26 =	sadd.s32 $0xC600, s21;
	s0 =	sadd.s32 s3, s0;
	s30 =	spop (v2sf);
	(v2sf) =	vpush v0, $0xE  }
0x196: {  	[tilespmem:s26], [sflag:$0x4] =	stream.linear.gather [hbm4b:s0+s2], $0x80, $0x38;
	[tilespmem:$0x10200] =	vst v63  }
0x197: {  	s0 =	sand.u32 $0x1FFFFFF0, s28  }
0x198: {  	s29 =	sadd.s32 $0xC680, s21;
	s0 =	sadd.s32 s3, s0  }
0x199: {  	[tilespmem:s29], [sflag:$0x4] =	stream.linear.gather [hbm4b:s0+s2], $0x80, $0x38;
	[tilespmem:$0x10200] =	vst v63  }
0x19a: {  	s0 =	sand.u32 $0x1FFFFFF0, s30;
	s4 =	spop (v2sf);
	(v2sf) =	vpush v0, $0xF  }
0x19b: {  	s31 =	sadd.s32 $0xC700, s21;
	s0 =	sadd.s32 s3, s0  }
0x19c: {  	[tilespmem:s31], [sflag:$0x4] =	stream.linear.gather [hbm4b:s0+s2], $0x80, $0x38;
	[tilespmem:$0x10200] =	vst v63  }
0x19d: {  	s0 =	sand.u32 $0x1FFFFFF0, s4  }
0x19e: {  	s5 =	sadd.s32 $0xC780, s21;
	s0 =	sadd.s32 s3, s0;
	s6 =	spop (v2sf)  }
0x19f: {  	[tilespmem:s5], [sflag:$0x4] =	stream.linear.gather [hbm4b:s0+s2], $0x80, $0x38;
	[tilespmem:$0x10200] =	vst v63  }
0x1a0: {  	s0 =	sand.u32 $0x1FFFFFF0, s6  }
0x1a1: {  	s7 =	sadd.s32 $0xC800, s21;
	s8 =	spop (v2sf);
	s0 =	sadd.s32 s3, s0  }
0x1a2: {  	[tilespmem:s7], [sflag:$0x4] =	stream.linear.gather [hbm4b:s0+s2], $0x80, $0x38;
	[tilespmem:$0x10200] =	vst v63  }
0x1a3: {  	s0 =	sand.u32 $0x1FFFFFF0, s8  }
0x1a4: {  	s12 =	sadd.s32 $0xC880, s21;
	s14 =	spop (v2sf);
	s0 =	sadd.s32 s3, s0  }
0x1a5: {  	[tilespmem:s12], [sflag:$0x4] =	stream.linear.gather [hbm4b:s0+s2], $0x80, $0x38;
	[tilespmem:$0x10200] =	vst v63  }
0x1a6: {  	s0 =	sand.u32 $0x1FFFFFF0, s14  }
0x1a7: {  	s16 =	sadd.s32 $0xC900, s21;
	s0 =	sadd.s32 s3, s0  }
0x1a8: {  	[tilespmem:s16], [sflag:$0x4] =	stream.linear.gather [hbm4b:s0+s2], $0x80, $0x38;
	[tilespmem:$0x10200] =	vst v63  }
0x1a9: {  	s18 =	spop (v2sf)  }
0x1aa: {  	s0 =	sand.u32 $0x1FFFFFF0, s18  }
0x1ab: {  	s22 =	sadd.s32 $0xC980, s21;
	s0 =	sadd.s32 s3, s0  }
0x1ac: {  	[tilespmem:s22], [sflag:$0x4] =	stream.linear.gather [hbm4b:s0+s2], $0x80, $0x38;
	[tilespmem:$0x10200] =	vst v63  }
0x1ad: {  	_ =	swait.ge [sflag:s11], $0x4000  }
0x1ae: {  	[sflag:s11] =	ssyncset.done $0x0  }
0x1af: {  	s24 =	simm.s32 $0x200;
	s23 =	rddreg [dreg:$0x4];
	[sflag:s11] =	ssyncadd.s32 $0xFFFFC000  }
0x1b0: {  	[hbm4b:s23+s2] =	stream.linear.scatter [tilespmem:s24], [sflag:$0x5], $0x4000, $0x38;
	[tilespmem:$0x10200] =	vst v63  }
0x1b1: {  	_ =	swait.ge [sflag:s13], $0x4000  }
0x1b2: {  	[sflag:s13] =	ssyncset.done $0x0  }
0x1b3: {  	s26 =	simm.s32 $0x4200;
	s25 =	rddreg [dreg:$0x5];
	[sflag:s13] =	ssyncadd.s32 $0xFFFFC000  }
0x1b4: {  	[hbm4b:s25+s2] =	stream.linear.scatter [tilespmem:s26], [sflag:$0x5], $0x4000, $0x38;
	[tilespmem:$0x10200] =	vst v63  }
0x1b5: {  	_ =	swait.ge [sflag:s15], $0x4000  }
0x1b6: {  	[sflag:s15] =	ssyncset.done $0x0  }
0x1b7: {  	s29 =	simm.s32 $0x8200;
	s28 =	rddreg [dreg:$0x6];
	[sflag:s15] =	ssyncadd.s32 $0xFFFFC000  }
0x1b8: {  	[hbm4b:s28+s2] =	stream.linear.scatter [tilespmem:s29], [sflag:$0x5], $0x4000, $0x38;
	[tilespmem:$0x10200] =	vst v63  }
0x1b9: {  	s20 =	sadd.s32 $0x1, s20;
	_ =	swait.ge [sflag:s17], $0x4000  }
0x1ba: {  	p0 =	sne.s32 s20, s9;
	s31 =	simm.s32 $0xC200;
	[sflag:s17] =	ssyncset.done $0x0  }
.Ltmp4:
0x1bb: {  	s30 =	rddreg [dreg:$0x7];
	[sflag:s17] =	ssyncadd.s32 $0xFFFFC000;
	(pc) =	sbr.rel @p0 .LBB2_1-.Ltmp4, $4  }
0x1bc: {  	[hbm4b:s30+s2] =	stream.linear.scatter [tilespmem:s31], [sflag:$0x5], $0x4000, $0x38;
	[tilespmem:$0x10200] =	vst v63  }
0x1bd: {  	_ =	swait.ge [sflag:s19], $0x10000  }
0x1be: {  	[sflag:s19] =	ssyncset.done $0x0  }
0x1bf: {  	[sflag:s19] =	ssyncadd.s32 $0xFFFF0000  }
0x1c0: {  	_ =	sfence.sel $0x180000  }
0x1c1: {  	[bflag:$0x0] =	sbarrier.arrive $0xFFFF  }
0x1c2: {  	_ =	strace $0x90000047  }
0x1c3: {  	s0 =	stileid.u32;
	[bflag:$0x2] =	sbarrier.arrive $0xFFFF  }
0x1c4: {  	p0 =	sne.s32 s0, $0x0;
	s0 =	rddreg [dreg:$0x2]  }
0x1c5: {  	s0 =	sadd.s32 @!p0 $0x100000, s0  }
0x1c6: {  	[sflag:s0] =	ssyncadd.tile.s32 @!p0 $0x1;
	_ =	shalt  }
.Lfunc_end2:
_tile_overlayer_lowered:
.L_overlay_start_2:
0x1c7: {  	(tag) =	ssettag $0x2  }
0x1c8: {  	s0 =	rddreg [dreg:$0x0];
	s2 =	stileid.u32  }
0x1c9: {  	s1 =	rddreg [dreg:$0x1];
	p0 =	sne.s32 s2, $0x0  }
0x1ca: {  	s3 =	rddreg [dreg:$0x2];
	[bflag:$0x3] =	sbarrier.arrive $0xFFFF;
	s2 =	simm.s32 @!p0 $0x1C06  }
0x1cb: {  	[timem:s3], [sflag:s2] =	dma.local @!p0 [hbm:s0], s1  }
0x1cc: {  	s0 =	simm.s32 @!p0 $0x6  }
0x1cd: {  	_ =	swait.ge @!p0 [sflag:s0], s1  }
0x1ce: {  	s1 =	ssub.s32 @!p0 $0x0, s1;
	[sflag:s0] =	ssyncset.done @!p0 $0x0  }
0x1cf: {  	[sflag:s0] =	ssyncadd.s32 @!p0 s1  }
0x1d0: {  	[bflag:$0x3] =	sbarrier.arrive $0xFFFF  }
0x1d1: {  	_ =	shalt  }

</sc_bundles>
